<compile_context>
chip_gen: v7x
topology: tpu7x:2x2x1
jax: 0.10.2.dev20260603
libtpu: 0.0.44.dev20260713+nightly
codegen_flags: <defaults>
</compile_context>

<pallas_src>
import jax
import jax.numpy as jnp
from jax import lax
from jax.experimental import pallas as pl
from jax.experimental.pallas import tpu as pltpu
from jax.experimental.pallas import tpu_sc as plsc

B = 1024
V = 100000
NCAND = 50
NCAND_PAD = 64
L = 16

_info = plsc.get_sparse_core_info()
_NC, _NS = _info.num_cores, _info.num_subcores
NW = _NC * _NS

N_SLABS = 4
N_STRIPES = 8
SLAB_V = V // N_SLABS
STRIPE_B = B // N_STRIPES
CV = 200
NCH = SLAB_V // CV
CHW = CV * STRIPE_B
STRIPE_IDX = STRIPE_B * NCAND_PAD
LST_CAP = STRIPE_IDX + L
SENTINEL = 2**30
NBUF = 3
XROWS = B // NW


def _zero_buf(buf):
    zeros16 = jnp.zeros((L,), jnp.float32)

    def zb(k, carry):
        buf[k >> 3, pl.ds((k & 7) * L, L)] = zeros16
        return carry

    lax.fori_loop(0, CV * (STRIPE_B // L), zb, 0, unroll=8)


def _sc_body(idx_hbm, outT_hbm,
             idx_stage, lst, hits0, hits1, hits2, buf0, buf1, buf2,
             sem0, sem1, sem2):
    c = lax.axis_index("c")
    s = lax.axis_index("s")
    wid = s * _NC + c
    stripe = wid % N_STRIPES
    slab = wid // N_STRIPES
    vlo = slab * SLAB_V

    stage_dma = pltpu.async_copy(
        idx_hbm.at[pl.ds(stripe * STRIPE_IDX, STRIPE_IDX)], idx_stage, sem0)

    iota16 = lax.iota(jnp.int32, L)
    ones16 = jnp.ones((L,), jnp.float32)
    zeros16 = jnp.zeros((L,), jnp.float32)
    sent16 = jnp.full((L,), SENTINEL, jnp.int32)

    _zero_buf(buf0)
    stage_dma.wait()

    def fbody(j, cnt):
        iv = idx_stage[pl.ds(j * L, L)]
        v = iv - 1
        m = (iv > 0) & (v >= vlo) & (v < vlo + SLAB_V)
        b_local = (j * L + iota16) >> 6
        off = (v - vlo) * STRIPE_B + b_local
        plsc.store_compressed(lst.at[pl.ds(cnt, L)], off, mask=m)
        return cnt + jnp.sum(m.astype(jnp.int32))

    cnt = lax.fori_loop(0, STRIPE_IDX // L, fbody, jnp.int32(0), unroll=4)
    lst[pl.ds(cnt, L)] = sent16
    n_iter = (cnt + (L - 1)) >> 4

    dst_b = stripe * STRIPE_B

    def chunk_dst(ci):
        return outT_hbm.at[pl.ds(vlo + ci * CV, CV), pl.ds(dst_b, STRIPE_B)]

    def do_chunk(ci, buf, hits, sem, h_in):
        @pl.when(ci >= NBUF)
        def _():
            pltpu.make_async_copy(buf, chunk_dst(ci - NBUF), sem).wait()

        def ub(j, carry):
            e = hits[pl.ds(j * L, L)]
            plsc.store_scatter(buf, [e >> 7, e & (STRIPE_B - 1)], zeros16,
                               mask=e < CHW)
            return carry

        lax.fori_loop(0, (h_in + (L - 1)) >> 4, ub, 0)

        lo = ci * CHW

        def sb(j, hcnt):
            e = lst[pl.ds(j * L, L)]
            rel = e - lo
            m = (rel >= 0) & (rel < CHW)
            plsc.store_scatter(buf, [rel >> 7, rel & (STRIPE_B - 1)], ones16,
                               mask=m)
            plsc.store_compressed(hits.at[pl.ds(hcnt, L)], rel, mask=m)
            return hcnt + jnp.sum(m.astype(jnp.int32))

        h_out = lax.fori_loop(0, n_iter, sb, jnp.int32(0))
        hits[pl.ds(h_out, L)] = sent16
        pltpu.make_async_copy(buf, chunk_dst(ci), sem).start()
        return h_out

    bufs = (buf0, buf1, buf2)
    hitss = (hits0, hits1, hits2)
    sems = (sem0, sem1, sem2)

    def rnd(i, carry):
        hs = list(carry)
        for k in range(NBUF):
            hs[k] = do_chunk(NBUF * i + k, bufs[k], hitss[k], sems[k], hs[k])
        return tuple(hs)

    hs = [jnp.int32(0)] * NBUF
    hs[0] = do_chunk(jnp.int32(0), buf0, hits0, sem0, hs[0])
    _zero_buf(buf1)
    hs[1] = do_chunk(jnp.int32(1), buf1, hits1, sem1, hs[1])
    _zero_buf(buf2)
    hs[2] = do_chunk(jnp.int32(2), buf2, hits2, sem2, hs[2])

    hs = lax.fori_loop(1, NCH // NBUF, rnd, tuple(hs))
    hs = list(hs)
    for k in range(NCH % NBUF):
        ci = jnp.int32((NCH // NBUF) * NBUF + k)
        hs[k] = do_chunk(ci, bufs[k], hitss[k], sems[k], hs[k])
    for k in range(NBUF):
        last_ci = NCH - NBUF + ((k - NCH) % NBUF)
        pltpu.make_async_copy(bufs[k], chunk_dst(jnp.int32(last_ci)),
                              sems[k]).wait()


@jax.jit
def _teacher_force(x, outmask, t):
    idx = lax.dynamic_index_in_dim(outmask, t, 1, keepdims=False)
    idx = idx[:, 2:]
    idx = jnp.concatenate(
        [idx, jnp.zeros((B, NCAND_PAD - NCAND), jnp.int32)], axis=1
    )
    idx_flat = idx.reshape(-1)
    x_t = lax.dynamic_index_in_dim(x, t, 2, keepdims=False)

    mesh = plsc.VectorSubcoreMesh(core_axis_name="c", subcore_axis_name="s")
    k = pl.kernel(
        _sc_body,
        mesh=mesh,
        out_type=jax.ShapeDtypeStruct((V, B), jnp.float32),
        scratch_types=[
            pltpu.VMEM((STRIPE_IDX,), jnp.int32),
            pltpu.VMEM((LST_CAP,), jnp.int32),
            pltpu.VMEM((LST_CAP,), jnp.int32),
            pltpu.VMEM((LST_CAP,), jnp.int32),
            pltpu.VMEM((LST_CAP,), jnp.int32),
            pltpu.VMEM((CV, STRIPE_B), jnp.float32),
            pltpu.VMEM((CV, STRIPE_B), jnp.float32),
            pltpu.VMEM((CV, STRIPE_B), jnp.float32),
            pltpu.SemaphoreType.DMA,
            pltpu.SemaphoreType.DMA,
            pltpu.SemaphoreType.DMA,
        ],
        compiler_params=pltpu.CompilerParams(needs_layout_passes=False),
    )
    outT = k(idx_flat)

    def _xcopy(xt_ref, o0_ref, o1_ref):
        o0_ref[...] = xt_ref[0]
        o1_ref[...] = xt_ref[1]

    x0, x1 = pl.pallas_call(
        _xcopy,
        out_shape=(
            jax.ShapeDtypeStruct((B, 128), jnp.float32),
            jax.ShapeDtypeStruct((B, 128), jnp.float32),
        ),
    )(x_t)
    return x0, x1, outT.T


def kernel(x, outmask, t):
    return _teacher_force(x, outmask, t)

# --- scband reference (transcript-rebuilt; emitter-appended) ---
"""Pipeline reference for scband-teacher-forcer-17437567221980 (READ-ONLY COPY).

The authoritative reference and input builder live on the scoring server;
editing this copy changes nothing except your own understanding.
"""

import jax, jax.numpy as jnp
import numpy as np


def setup_inputs(seed: int = 0) -> dict:
    key = jax.random.key(seed)
    k1, k2 = jax.random.split(key)
    # x plays the role of the tuple of decoder input tensors: stacked as [K, B, T, d]
    x = jax.random.normal(k1, (2, 1024, 200, 128), dtype=jnp.float32)
    # outmask: [B, T, 2 + n_cand] int indices into vocab (vocsize = 100000).
    # Torch branch condition requires outmask[0, 0, 1] > 1 and uses it as vocsize,
    # so pin that entry to the vocab size.
    outmask = jax.random.randint(k2, (1024, 200, 52), 0, 100001, dtype=jnp.int32)
    outmask = outmask.at[0, 0, 1].set(100000)
    t = 100
    return {"x": x, "outmask": outmask, "t": t}


def reference(x, outmask, t):
    # Faithful translation of TeacherForcer.forward with xkw = {'outmask': outmask},
    # taking the 3-dim outmask scatter branch (outmask[0,0,1] > 1).
    # outargs = tuple(xi[:, t] for xi in x) -- x is iterable of [B, T, d] tensors
    outargs = tuple(x[i][:, t] for i in range(x.shape[0]))
    vocsize = 100000
    B = outmask.shape[0]
    idx = outmask[:, t, 2:]  # [B, n_cand]
    rows = jnp.arange(B)[:, None]
    # torch: zeros(B, vocsize+1).scatter_(1, idx, 1) -> one-hot overwrite scatter
    outmask_t = jnp.zeros((B, vocsize + 1), dtype=jnp.float32).at[rows, idx].set(1.0)
    # torch: drop column 0 (padding index)
    outmask_t = outmask_t[:, 1:]
    return (*outargs, outmask_t)

if __name__ == "__main__":
    import jax
    _d = setup_inputs()
    print(jax.jit(kernel)(*tuple(_d.values())))

</pallas_src>

<mosaic_0001>
#map = affine_map<(d0, d1) -> (0)>
#map1 = affine_map<(d0, d1) -> (0, 0)>
module attributes {stable_mosaic.version = 14 : i64} {
  func.func @_sc_body(%arg0: i32, %arg1: i32, %arg2: memref<65536xi32, #tpu.memory_space<hbm>>, %arg3: memref<100000x1024xf32, #tpu.memory_space<hbm>>, %arg4: memref<8192xi32, #tpu.memory_space<vmem>>, %arg5: memref<8208xi32, #tpu.memory_space<vmem>>, %arg6: memref<8208xi32, #tpu.memory_space<vmem>>, %arg7: memref<8208xi32, #tpu.memory_space<vmem>>, %arg8: memref<8208xi32, #tpu.memory_space<vmem>>, %arg9: memref<200x128xf32, #tpu.memory_space<vmem>>, %arg10: memref<200x128xf32, #tpu.memory_space<vmem>>, %arg11: memref<200x128xf32, #tpu.memory_space<vmem>>, %arg12: memref<!tpu.dma_semaphore, #tpu.memory_space<semaphore_mem>>, %arg13: memref<!tpu.dma_semaphore, #tpu.memory_space<semaphore_mem>>, %arg14: memref<!tpu.dma_semaphore, #tpu.memory_space<semaphore_mem>>) attributes {dimension_semantics = [#tpu.dimension_semantics<core_parallel>, #tpu.dimension_semantics<subcore_parallel>], iteration_bounds = array<i64: 2, 16>, scalar_prefetch = 0 : i64, scratch_operands = 11 : i64, tpu.core_type = #tpu.core_type<sc_vector_subcore>, window_params = [{transform_indices = #map}, {transform_indices = #map1}]} {
    %mul3A = arith.constant 2 : i32
    %mul3A_0 = arith.muli %arg1, %mul3A : i32
    %add3A = arith.addi %mul3A_0, %arg0 : i32
    %jit3A = arith.constant 8 : i32
    %eq3A = arith.constant 0 : i32
    %eq3A_1 = arith.cmpi eq, %jit3A, %eq3A : i32
    %jit3A_2 = arith.constant 1 : i32
    %select_n3A = arith.select %eq3A_1, %jit3A_2, %jit3A : i32
    %rem3A = arith.remsi %add3A, %select_n3A : i32
    %ne3A = arith.constant 0 : i32
    %ne3A_3 = arith.cmpi ne, %rem3A, %ne3A : i32
    %lt3A = arith.constant 0 : i32
    %lt3A_4 = arith.cmpi slt, %rem3A, %lt3A : i32
    %lt3A_5 = arith.constant 0 : i32
    %lt3A_6 = arith.cmpi slt, %select_n3A, %lt3A_5 : i32
    %ne3A_7 = arith.xori %lt3A_4, %lt3A_6 : i1
    %and3A = arith.andi %ne3A_7, %ne3A_3 : i1
    %add3A_8 = arith.addi %rem3A, %select_n3A : i32
    %select_n3A_9 = arith.select %and3A, %add3A_8, %rem3A : i32
    %jit3A_10 = arith.constant 8 : i32
    %div3A = arith.divsi %add3A, %jit3A_10 : i32
    %sign3A = arith.constant 0 : i32
    %sign3A_11 = arith.cmpi sgt, %add3A, %sign3A : i32
    %sign3A_12 = arith.extui %sign3A_11 : i1 to i32
    %sign3A_13 = arith.constant 0 : i32
    %sign3A_14 = arith.cmpi slt, %add3A, %sign3A_13 : i32
    %sign3A_15 = arith.extui %sign3A_14 : i1 to i32
    %sign3A_16 = arith.subi %sign3A_12, %sign3A_15 : i32
    %sign3A_17 = arith.constant 0 : i32
    %sign3A_18 = arith.cmpi sgt, %jit3A_10, %sign3A_17 : i32
    %sign3A_19 = arith.extui %sign3A_18 : i1 to i32
    %sign3A_20 = arith.constant 0 : i32
    %sign3A_21 = arith.cmpi slt, %jit3A_10, %sign3A_20 : i32
    %sign3A_22 = arith.extui %sign3A_21 : i1 to i32
    %sign3A_23 = arith.subi %sign3A_19, %sign3A_22 : i32
    %ne3A_24 = arith.cmpi ne, %sign3A_16, %sign3A_23 : i32
    %rem3A_25 = arith.remsi %add3A, %jit3A_10 : i32
    %ne3A_26 = arith.constant 0 : i32
    %ne3A_27 = arith.cmpi ne, %rem3A_25, %ne3A_26 : i32
    %and3A_28 = arith.andi %ne3A_24, %ne3A_27 : i1
    %sub3A = arith.constant 1 : i32
    %sub3A_29 = arith.subi %div3A, %sub3A : i32
    %select_n3A_30 = arith.select %and3A_28, %sub3A_29, %div3A : i32
    %mul3A_31 = arith.constant 25000 : i32
    %mul3A_32 = arith.muli %select_n3A_30, %mul3A_31 : i32
    %mul3A_33 = arith.constant 8192 : i32
    %mul3A_34 = arith.muli %select_n3A_9, %mul3A_33 : i32
    %dma_start3A = tpu.memref_slice %arg2[%mul3A_34] : memref<65536xi32, #tpu.memory_space<hbm>> -> memref<8192xi32, #tpu.memory_space<hbm>>
    %dma_start3A_35 = tpu.memref_slice %arg2[%mul3A_34] : memref<65536xi32, #tpu.memory_space<hbm>> -> memref<8192xi32, #tpu.memory_space<hbm>>
    tpu.enqueue_dma source(%dma_start3A_35 : memref<8192xi32, #tpu.memory_space<hbm>>) target(%arg4 : memref<8192xi32, #tpu.memory_space<vmem>>) target_semaphore(%arg12 : memref<!tpu.dma_semaphore, #tpu.memory_space<semaphore_mem>>)
    %iota3A = tpu.iota {dimensions = array<i32: 0>} : vector<16xi32>
    %broadcast_in_dim3A = arith.constant 1.000000e+00 : f32
    %broadcast_in_dim3A_36 = vector.broadcast %broadcast_in_dim3A : f32 to vector<16xf32>
    %broadcast_in_dim3A_37 = arith.constant 0.000000e+00 : f32
    %broadcast_in_dim3A_38 = vector.broadcast %broadcast_in_dim3A_37 : f32 to vector<16xf32>
    %broadcast_in_dim3A_39 = arith.constant 1073741824 : i32
    %broadcast_in_dim3A_40 = vector.broadcast %broadcast_in_dim3A_39 : i32 to vector<16xi32>
    %broadcast_in_dim3A_41 = arith.constant 0.000000e+00 : f32
    %broadcast_in_dim3A_42 = vector.broadcast %broadcast_in_dim3A_41 : f32 to vector<16xf32>
    %scan3A = arith.constant 0 : i32
    %scan3A_43 = arith.constant 0 : i32
    %scan3A_44 = arith.constant 1600 : i32
    %scan3A_45 = arith.addi %scan3A_43, %scan3A_44 : i32
    %scan3A_46 = arith.constant 8 : i32
    scf.for %scan3A_321 = %scan3A_43 to %scan3A_45 step %scan3A_46  : i32 {
      %shift_right_arithmetic3A_322 = arith.constant 3 : i32
      %shift_right_arithmetic3A_323 = arith.shrsi %scan3A_321, %shift_right_arithmetic3A_322 : i32
      %and3A_324 = arith.constant 7 : i32
      %and3A_325 = arith.andi %scan3A_321, %and3A_324 : i32
      %mul3A_326 = arith.constant 16 : i32
      %mul3A_327 = arith.muli %and3A_325, %mul3A_326 : i32
      %swap3A_328 = arith.index_cast %shift_right_arithmetic3A_323 : i32 to index
      %swap3A_329 = arith.index_cast %mul3A_327 : i32 to index
      %swap3A_330 = tpu.vector_load %arg9[%swap3A_328, %swap3A_329] {strides = array<i32>} : memref<200x128xf32, #tpu.memory_space<vmem>>, vector<16xf32>,
      tpu.vector_store %arg9[%swap3A_328, %swap3A_329], %broadcast_in_dim3A_42 {strides = array<i32>} : memref<200x128xf32, #tpu.memory_space<vmem>>, vector<16xf32>,
      %scan3A_331 = arith.constant 1 : i32
      %scan3A_332 = arith.addi %scan3A_321, %scan3A_331 : i32
      %shift_right_arithmetic3A_333 = arith.constant 3 : i32
      %shift_right_arithmetic3A_334 = arith.shrsi %scan3A_332, %shift_right_arithmetic3A_333 : i32
      %and3A_335 = arith.constant 7 : i32
      %and3A_336 = arith.andi %scan3A_332, %and3A_335 : i32
      %mul3A_337 = arith.constant 16 : i32
      %mul3A_338 = arith.muli %and3A_336, %mul3A_337 : i32
      %swap3A_339 = arith.index_cast %shift_right_arithmetic3A_334 : i32 to index
      %swap3A_340 = arith.index_cast %mul3A_338 : i32 to index
      %swap3A_341 = tpu.vector_load %arg9[%swap3A_339, %swap3A_340] {strides = array<i32>} : memref<200x128xf32, #tpu.memory_space<vmem>>, vector<16xf32>,
      tpu.vector_store %arg9[%swap3A_339, %swap3A_340], %broadcast_in_dim3A_42 {strides = array<i32>} : memref<200x128xf32, #tpu.memory_space<vmem>>, vector<16xf32>,
      %scan3A_342 = arith.constant 2 : i32
      %scan3A_343 = arith.addi %scan3A_321, %scan3A_342 : i32
      %shift_right_arithmetic3A_344 = arith.constant 3 : i32
      %shift_right_arithmetic3A_345 = arith.shrsi %scan3A_343, %shift_right_arithmetic3A_344 : i32
      %and3A_346 = arith.constant 7 : i32
      %and3A_347 = arith.andi %scan3A_343, %and3A_346 : i32
      %mul3A_348 = arith.constant 16 : i32
      %mul3A_349 = arith.muli %and3A_347, %mul3A_348 : i32
      %swap3A_350 = arith.index_cast %shift_right_arithmetic3A_345 : i32 to index
      %swap3A_351 = arith.index_cast %mul3A_349 : i32 to index
      %swap3A_352 = tpu.vector_load %arg9[%swap3A_350, %swap3A_351] {strides = array<i32>} : memref<200x128xf32, #tpu.memory_space<vmem>>, vector<16xf32>,
      tpu.vector_store %arg9[%swap3A_350, %swap3A_351], %broadcast_in_dim3A_42 {strides = array<i32>} : memref<200x128xf32, #tpu.memory_space<vmem>>, vector<16xf32>,
      %scan3A_353 = arith.constant 3 : i32
      %scan3A_354 = arith.addi %scan3A_321, %scan3A_353 : i32
      %shift_right_arithmetic3A_355 = arith.constant 3 : i32
      %shift_right_arithmetic3A_356 = arith.shrsi %scan3A_354, %shift_right_arithmetic3A_355 : i32
      %and3A_357 = arith.constant 7 : i32
      %and3A_358 = arith.andi %scan3A_354, %and3A_357 : i32
      %mul3A_359 = arith.constant 16 : i32
      %mul3A_360 = arith.muli %and3A_358, %mul3A_359 : i32
      %swap3A_361 = arith.index_cast %shift_right_arithmetic3A_356 : i32 to index
      %swap3A_362 = arith.index_cast %mul3A_360 : i32 to index
      %swap3A_363 = tpu.vector_load %arg9[%swap3A_361, %swap3A_362] {strides = array<i32>} : memref<200x128xf32, #tpu.memory_space<vmem>>, vector<16xf32>,
      tpu.vector_store %arg9[%swap3A_361, %swap3A_362], %broadcast_in_dim3A_42 {strides = array<i32>} : memref<200x128xf32, #tpu.memory_space<vmem>>, vector<16xf32>,
      %scan3A_364 = arith.constant 4 : i32
      %scan3A_365 = arith.addi %scan3A_321, %scan3A_364 : i32
      %shift_right_arithmetic3A_366 = arith.constant 3 : i32
      %shift_right_arithmetic3A_367 = arith.shrsi %scan3A_365, %shift_right_arithmetic3A_366 : i32
      %and3A_368 = arith.constant 7 : i32
      %and3A_369 = arith.andi %scan3A_365, %and3A_368 : i32
      %mul3A_370 = arith.constant 16 : i32
      %mul3A_371 = arith.muli %and3A_369, %mul3A_370 : i32
      %swap3A_372 = arith.index_cast %shift_right_arithmetic3A_367 : i32 to index
      %swap3A_373 = arith.index_cast %mul3A_371 : i32 to index
      %swap3A_374 = tpu.vector_load %arg9[%swap3A_372, %swap3A_373] {strides = array<i32>} : memref<200x128xf32, #tpu.memory_space<vmem>>, vector<16xf32>,
      tpu.vector_store %arg9[%swap3A_372, %swap3A_373], %broadcast_in_dim3A_42 {strides = array<i32>} : memref<200x128xf32, #tpu.memory_space<vmem>>, vector<16xf32>,
      %scan3A_375 = arith.constant 5 : i32
      %scan3A_376 = arith.addi %scan3A_321, %scan3A_375 : i32
      %shift_right_arithmetic3A_377 = arith.constant 3 : i32
      %shift_right_arithmetic3A_378 = arith.shrsi %scan3A_376, %shift_right_arithmetic3A_377 : i32
      %and3A_379 = arith.constant 7 : i32
      %and3A_380 = arith.andi %scan3A_376, %and3A_379 : i32
      %mul3A_381 = arith.constant 16 : i32
      %mul3A_382 = arith.muli %and3A_380, %mul3A_381 : i32
      %swap3A_383 = arith.index_cast %shift_right_arithmetic3A_378 : i32 to index
      %swap3A_384 = arith.index_cast %mul3A_382 : i32 to index
      %swap3A_385 = tpu.vector_load %arg9[%swap3A_383, %swap3A_384] {strides = array<i32>} : memref<200x128xf32, #tpu.memory_space<vmem>>, vector<16xf32>,
      tpu.vector_store %arg9[%swap3A_383, %swap3A_384], %broadcast_in_dim3A_42 {strides = array<i32>} : memref<200x128xf32, #tpu.memory_space<vmem>>, vector<16xf32>,
      %scan3A_386 = arith.constant 6 : i32
      %scan3A_387 = arith.addi %scan3A_321, %scan3A_386 : i32
      %shift_right_arithmetic3A_388 = arith.constant 3 : i32
      %shift_right_arithmetic3A_389 = arith.shrsi %scan3A_387, %shift_right_arithmetic3A_388 : i32
      %and3A_390 = arith.constant 7 : i32
      %and3A_391 = arith.andi %scan3A_387, %and3A_390 : i32
      %mul3A_392 = arith.constant 16 : i32
      %mul3A_393 = arith.muli %and3A_391, %mul3A_392 : i32
      %swap3A_394 = arith.index_cast %shift_right_arithmetic3A_389 : i32 to index
      %swap3A_395 = arith.index_cast %mul3A_393 : i32 to index
      %swap3A_396 = tpu.vector_load %arg9[%swap3A_394, %swap3A_395] {strides = array<i32>} : memref<200x128xf32, #tpu.memory_space<vmem>>, vector<16xf32>,
      tpu.vector_store %arg9[%swap3A_394, %swap3A_395], %broadcast_in_dim3A_42 {strides = array<i32>} : memref<200x128xf32, #tpu.memory_space<vmem>>, vector<16xf32>,
      %scan3A_397 = arith.constant 7 : i32
      %scan3A_398 = arith.addi %scan3A_321, %scan3A_397 : i32
      %shift_right_arithmetic3A_399 = arith.constant 3 : i32
      %shift_right_arithmetic3A_400 = arith.shrsi %scan3A_398, %shift_right_arithmetic3A_399 : i32
      %and3A_401 = arith.constant 7 : i32
      %and3A_402 = arith.andi %scan3A_398, %and3A_401 : i32
      %mul3A_403 = arith.constant 16 : i32
      %mul3A_404 = arith.muli %and3A_402, %mul3A_403 : i32
      %swap3A_405 = arith.index_cast %shift_right_arithmetic3A_400 : i32 to index
      %swap3A_406 = arith.index_cast %mul3A_404 : i32 to index
      %swap3A_407 = tpu.vector_load %arg9[%swap3A_405, %swap3A_406] {strides = array<i32>} : memref<200x128xf32, #tpu.memory_space<vmem>>, vector<16xf32>,
      tpu.vector_store %arg9[%swap3A_405, %swap3A_406], %broadcast_in_dim3A_42 {strides = array<i32>} : memref<200x128xf32, #tpu.memory_space<vmem>>, vector<16xf32>,
    }
    %scan3A_47 = arith.constant 1600 : i32
    %dma_wait3A = tpu.memref_slice %arg2[%mul3A_34] : memref<65536xi32, #tpu.memory_space<hbm>> -> memref<8192xi32, #tpu.memory_space<hbm>>
    %dma_wait3A_48 = tpu.memref_slice %arg2[%mul3A_34] : memref<65536xi32, #tpu.memory_space<hbm>> -> memref<8192xi32, #tpu.memory_space<hbm>>
    tpu.wait_dma2 semaphore(%arg12 : memref<!tpu.dma_semaphore, #tpu.memory_space<semaphore_mem>>) src(%dma_wait3A_48 : memref<8192xi32, #tpu.memory_space<hbm>>) dst(%arg4 : memref<8192xi32, #tpu.memory_space<vmem>>)
    %scan3A_49 = arith.constant 0 : i32
    %scan3A_50 = arith.constant 0 : i32
    %scan3A_51 = arith.constant 512 : i32
    %scan3A_52 = arith.addi %scan3A_50, %scan3A_51 : i32
    %scan3A_53 = arith.constant 4 : i32
    %scan3A_54 = scf.for %scan3A_321 = %scan3A_50 to %scan3A_52 step %scan3A_53 iter_args(%scan3A_322 = %scan3A_49) -> (i32)  : i32 {
      %mul3A_323 = arith.constant 16 : i32
      %mul3A_324 = arith.muli %scan3A_321, %mul3A_323 : i32
      %get3A = arith.index_cast %mul3A_324 : i32 to index
      %get3A_325 = tpu.vector_load %arg4[%get3A] {strides = array<i32>} : memref<8192xi32, #tpu.memory_space<vmem>>, vector<16xi32>,
      %sub3A_326 = arith.constant 1 : i32
      %sub3A_327 = vector.broadcast %sub3A_326 : i32 to vector<16xi32>
      %sub3A_328 = arith.subi %get3A_325, %sub3A_327 : vector<16xi32>
      %gt3A = arith.constant 0 : i32
      %gt3A_329 = vector.broadcast %gt3A : i32 to vector<16xi32>
      %gt3A_330 = arith.cmpi sgt, %get3A_325, %gt3A_329 : vector<16xi32>
      %ge3A_331 = vector.broadcast %mul3A_32 : i32 to vector<16xi32>
      %ge3A_332 = arith.cmpi sge, %sub3A_328, %ge3A_331 : vector<16xi32>
      %and3A_333 = arith.andi %gt3A_330, %ge3A_332 : vector<16xi1>
      %add3A_334 = arith.constant 25000 : i32
      %add3A_335 = arith.addi %mul3A_32, %add3A_334 : i32
      %lt3A_336 = vector.broadcast %add3A_335 : i32 to vector<16xi32>
      %lt3A_337 = arith.cmpi slt, %sub3A_328, %lt3A_336 : vector<16xi32>
      %and3A_338 = arith.andi %and3A_333, %lt3A_337 : vector<16xi1>
      %mul3A_339 = arith.constant 16 : i32
      %mul3A_340 = arith.muli %scan3A_321, %mul3A_339 : i32
      %add3A_341 = vector.broadcast %mul3A_340 : i32 to vector<16xi32>
      %add3A_342 = arith.addi %add3A_341, %iota3A : vector<16xi32>
      %shift_right_arithmetic3A_343 = arith.constant 6 : i32
      %shift_right_arithmetic3A_344 = vector.broadcast %shift_right_arithmetic3A_343 : i32 to vector<16xi32>
      %shift_right_arithmetic3A_345 = arith.shrsi %add3A_342, %shift_right_arithmetic3A_344 : vector<16xi32>
      %sub3A_346 = vector.broadcast %mul3A_32 : i32 to vector<16xi32>
      %sub3A_347 = arith.subi %sub3A_328, %sub3A_346 : vector<16xi32>
      %mul3A_348 = arith.constant 128 : i32
      %mul3A_349 = vector.broadcast %mul3A_348 : i32 to vector<16xi32>
      %mul3A_350 = arith.muli %sub3A_347, %mul3A_349 : vector<16xi32>
      %add3A_351 = arith.addi %mul3A_350, %shift_right_arithmetic3A_345 : vector<16xi32>
      %swap3A_352 = arith.index_cast %scan3A_322 : i32 to index
      %swap3A_353 = tpu.vector_load %arg5[%swap3A_352] masked %and3A_338 {strides = array<i32>} : memref<8208xi32, #tpu.memory_space<vmem>>, vector<16xi32>, vector<16xi1>
      tpu.vector_store %arg5[%swap3A_352], %add3A_351 masked %and3A_338 {strides = array<i32>} : memref<8208xi32, #tpu.memory_space<vmem>>, vector<16xi32>, vector<16xi1>
      %convert_element_type3A_354 = arith.extui %and3A_338 : vector<16xi1> to vector<16xi32>
      %reduce_sum3A = arith.constant true
      %reduce_sum3A_355 = vector.broadcast %reduce_sum3A : i1 to vector<16xi1>
      %reduce_sum3A_356 = tpu.scan <sum>, %convert_element_type3A_354 masked %reduce_sum3A_355 : vector<16xi32>, vector<16xi1> -> vector<16xi32>
      %reduce_sum3A_357 = vector.extract %reduce_sum3A_356[15] : i32 from vector<16xi32>
      %add3A_358 = arith.addi %scan3A_322, %reduce_sum3A_357 : i32
      %scan3A_359 = arith.constant 1 : i32
      %scan3A_360 = arith.addi %scan3A_321, %scan3A_359 : i32
      %mul3A_361 = arith.constant 16 : i32
      %mul3A_362 = arith.muli %scan3A_360, %mul3A_361 : i32
      %get3A_363 = arith.index_cast %mul3A_362 : i32 to index
      %get3A_364 = tpu.vector_load %arg4[%get3A_363] {strides = array<i32>} : memref<8192xi32, #tpu.memory_space<vmem>>, vector<16xi32>,
      %sub3A_365 = arith.constant 1 : i32
      %sub3A_366 = vector.broadcast %sub3A_365 : i32 to vector<16xi32>
      %sub3A_367 = arith.subi %get3A_364, %sub3A_366 : vector<16xi32>
      %gt3A_368 = arith.constant 0 : i32
      %gt3A_369 = vector.broadcast %gt3A_368 : i32 to vector<16xi32>
      %gt3A_370 = arith.cmpi sgt, %get3A_364, %gt3A_369 : vector<16xi32>
      %ge3A_371 = vector.broadcast %mul3A_32 : i32 to vector<16xi32>
      %ge3A_372 = arith.cmpi sge, %sub3A_367, %ge3A_371 : vector<16xi32>
      %and3A_373 = arith.andi %gt3A_370, %ge3A_372 : vector<16xi1>
      %add3A_374 = arith.constant 25000 : i32
      %add3A_375 = arith.addi %mul3A_32, %add3A_374 : i32
      %lt3A_376 = vector.broadcast %add3A_375 : i32 to vector<16xi32>
      %lt3A_377 = arith.cmpi slt, %sub3A_367, %lt3A_376 : vector<16xi32>
      %and3A_378 = arith.andi %and3A_373, %lt3A_377 : vector<16xi1>
      %mul3A_379 = arith.constant 16 : i32
      %mul3A_380 = arith.muli %scan3A_360, %mul3A_379 : i32
      %add3A_381 = vector.broadcast %mul3A_380 : i32 to vector<16xi32>
      %add3A_382 = arith.addi %add3A_381, %iota3A : vector<16xi32>
      %shift_right_arithmetic3A_383 = arith.constant 6 : i32
      %shift_right_arithmetic3A_384 = vector.broadcast %shift_right_arithmetic3A_383 : i32 to vector<16xi32>
      %shift_right_arithmetic3A_385 = arith.shrsi %add3A_382, %shift_right_arithmetic3A_384 : vector<16xi32>
      %sub3A_386 = vector.broadcast %mul3A_32 : i32 to vector<16xi32>
      %sub3A_387 = arith.subi %sub3A_367, %sub3A_386 : vector<16xi32>
      %mul3A_388 = arith.constant 128 : i32
      %mul3A_389 = vector.broadcast %mul3A_388 : i32 to vector<16xi32>
      %mul3A_390 = arith.muli %sub3A_387, %mul3A_389 : vector<16xi32>
      %add3A_391 = arith.addi %mul3A_390, %shift_right_arithmetic3A_385 : vector<16xi32>
      %swap3A_392 = arith.index_cast %add3A_358 : i32 to index
      %swap3A_393 = tpu.vector_load %arg5[%swap3A_392] masked %and3A_378 {strides = array<i32>} : memref<8208xi32, #tpu.memory_space<vmem>>, vector<16xi32>, vector<16xi1>
      tpu.vector_store %arg5[%swap3A_392], %add3A_391 masked %and3A_378 {strides = array<i32>} : memref<8208xi32, #tpu.memory_space<vmem>>, vector<16xi32>, vector<16xi1>
      %convert_element_type3A_394 = arith.extui %and3A_378 : vector<16xi1> to vector<16xi32>
      %reduce_sum3A_395 = arith.constant true
      %reduce_sum3A_396 = vector.broadcast %reduce_sum3A_395 : i1 to vector<16xi1>
      %reduce_sum3A_397 = tpu.scan <sum>, %convert_element_type3A_394 masked %reduce_sum3A_396 : vector<16xi32>, vector<16xi1> -> vector<16xi32>
      %reduce_sum3A_398 = vector.extract %reduce_sum3A_397[15] : i32 from vector<16xi32>
      %add3A_399 = arith.addi %add3A_358, %reduce_sum3A_398 : i32
      %scan3A_400 = arith.constant 2 : i32
      %scan3A_401 = arith.addi %scan3A_321, %scan3A_400 : i32
      %mul3A_402 = arith.constant 16 : i32
      %mul3A_403 = arith.muli %scan3A_401, %mul3A_402 : i32
      %get3A_404 = arith.index_cast %mul3A_403 : i32 to index
      %get3A_405 = tpu.vector_load %arg4[%get3A_404] {strides = array<i32>} : memref<8192xi32, #tpu.memory_space<vmem>>, vector<16xi32>,
      %sub3A_406 = arith.constant 1 : i32
      %sub3A_407 = vector.broadcast %sub3A_406 : i32 to vector<16xi32>
      %sub3A_408 = arith.subi %get3A_405, %sub3A_407 : vector<16xi32>
      %gt3A_409 = arith.constant 0 : i32
      %gt3A_410 = vector.broadcast %gt3A_409 : i32 to vector<16xi32>
      %gt3A_411 = arith.cmpi sgt, %get3A_405, %gt3A_410 : vector<16xi32>
      %ge3A_412 = vector.broadcast %mul3A_32 : i32 to vector<16xi32>
      %ge3A_413 = arith.cmpi sge, %sub3A_408, %ge3A_412 : vector<16xi32>
      %and3A_414 = arith.andi %gt3A_411, %ge3A_413 : vector<16xi1>
      %add3A_415 = arith.constant 25000 : i32
      %add3A_416 = arith.addi %mul3A_32, %add3A_415 : i32
      %lt3A_417 = vector.broadcast %add3A_416 : i32 to vector<16xi32>
      %lt3A_418 = arith.cmpi slt, %sub3A_408, %lt3A_417 : vector<16xi32>
      %and3A_419 = arith.andi %and3A_414, %lt3A_418 : vector<16xi1>
      %mul3A_420 = arith.constant 16 : i32
      %mul3A_421 = arith.muli %scan3A_401, %mul3A_420 : i32
      %add3A_422 = vector.broadcast %mul3A_421 : i32 to vector<16xi32>
      %add3A_423 = arith.addi %add3A_422, %iota3A : vector<16xi32>
      %shift_right_arithmetic3A_424 = arith.constant 6 : i32
      %shift_right_arithmetic3A_425 = vector.broadcast %shift_right_arithmetic3A_424 : i32 to vector<16xi32>
      %shift_right_arithmetic3A_426 = arith.shrsi %add3A_423, %shift_right_arithmetic3A_425 : vector<16xi32>
      %sub3A_427 = vector.broadcast %mul3A_32 : i32 to vector<16xi32>
      %sub3A_428 = arith.subi %sub3A_408, %sub3A_427 : vector<16xi32>
      %mul3A_429 = arith.constant 128 : i32
      %mul3A_430 = vector.broadcast %mul3A_429 : i32 to vector<16xi32>
      %mul3A_431 = arith.muli %sub3A_428, %mul3A_430 : vector<16xi32>
      %add3A_432 = arith.addi %mul3A_431, %shift_right_arithmetic3A_426 : vector<16xi32>
      %swap3A_433 = arith.index_cast %add3A_399 : i32 to index
      %swap3A_434 = tpu.vector_load %arg5[%swap3A_433] masked %and3A_419 {strides = array<i32>} : memref<8208xi32, #tpu.memory_space<vmem>>, vector<16xi32>, vector<16xi1>
      tpu.vector_store %arg5[%swap3A_433], %add3A_432 masked %and3A_419 {strides = array<i32>} : memref<8208xi32, #tpu.memory_space<vmem>>, vector<16xi32>, vector<16xi1>
      %convert_element_type3A_435 = arith.extui %and3A_419 : vector<16xi1> to vector<16xi32>
      %reduce_sum3A_436 = arith.constant true
      %reduce_sum3A_437 = vector.broadcast %reduce_sum3A_436 : i1 to vector<16xi1>
      %reduce_sum3A_438 = tpu.scan <sum>, %convert_element_type3A_435 masked %reduce_sum3A_437 : vector<16xi32>, vector<16xi1> -> vector<16xi32>
      %reduce_sum3A_439 = vector.extract %reduce_sum3A_438[15] : i32 from vector<16xi32>
      %add3A_440 = arith.addi %add3A_399, %reduce_sum3A_439 : i32
      %scan3A_441 = arith.constant 3 : i32
      %scan3A_442 = arith.addi %scan3A_321, %scan3A_441 : i32
      %mul3A_443 = arith.constant 16 : i32
      %mul3A_444 = arith.muli %scan3A_442, %mul3A_443 : i32
      %get3A_445 = arith.index_cast %mul3A_444 : i32 to index
      %get3A_446 = tpu.vector_load %arg4[%get3A_445] {strides = array<i32>} : memref<8192xi32, #tpu.memory_space<vmem>>, vector<16xi32>,
      %sub3A_447 = arith.constant 1 : i32
      %sub3A_448 = vector.broadcast %sub3A_447 : i32 to vector<16xi32>
      %sub3A_449 = arith.subi %get3A_446, %sub3A_448 : vector<16xi32>
      %gt3A_450 = arith.constant 0 : i32
      %gt3A_451 = vector.broadcast %gt3A_450 : i32 to vector<16xi32>
      %gt3A_452 = arith.cmpi sgt, %get3A_446, %gt3A_451 : vector<16xi32>
      %ge3A_453 = vector.broadcast %mul3A_32 : i32 to vector<16xi32>
      %ge3A_454 = arith.cmpi sge, %sub3A_449, %ge3A_453 : vector<16xi32>
      %and3A_455 = arith.andi %gt3A_452, %ge3A_454 : vector<16xi1>
      %add3A_456 = arith.constant 25000 : i32
      %add3A_457 = arith.addi %mul3A_32, %add3A_456 : i32
      %lt3A_458 = vector.broadcast %add3A_457 : i32 to vector<16xi32>
      %lt3A_459 = arith.cmpi slt, %sub3A_449, %lt3A_458 : vector<16xi32>
      %and3A_460 = arith.andi %and3A_455, %lt3A_459 : vector<16xi1>
      %mul3A_461 = arith.constant 16 : i32
      %mul3A_462 = arith.muli %scan3A_442, %mul3A_461 : i32
      %add3A_463 = vector.broadcast %mul3A_462 : i32 to vector<16xi32>
      %add3A_464 = arith.addi %add3A_463, %iota3A : vector<16xi32>
      %shift_right_arithmetic3A_465 = arith.constant 6 : i32
      %shift_right_arithmetic3A_466 = vector.broadcast %shift_right_arithmetic3A_465 : i32 to vector<16xi32>
      %shift_right_arithmetic3A_467 = arith.shrsi %add3A_464, %shift_right_arithmetic3A_466 : vector<16xi32>
      %sub3A_468 = vector.broadcast %mul3A_32 : i32 to vector<16xi32>
      %sub3A_469 = arith.subi %sub3A_449, %sub3A_468 : vector<16xi32>
      %mul3A_470 = arith.constant 128 : i32
      %mul3A_471 = vector.broadcast %mul3A_470 : i32 to vector<16xi32>
      %mul3A_472 = arith.muli %sub3A_469, %mul3A_471 : vector<16xi32>
      %add3A_473 = arith.addi %mul3A_472, %shift_right_arithmetic3A_467 : vector<16xi32>
      %swap3A_474 = arith.index_cast %add3A_440 : i32 to index
      %swap3A_475 = tpu.vector_load %arg5[%swap3A_474] masked %and3A_460 {strides = array<i32>} : memref<8208xi32, #tpu.memory_space<vmem>>, vector<16xi32>, vector<16xi1>
      tpu.vector_store %arg5[%swap3A_474], %add3A_473 masked %and3A_460 {strides = array<i32>} : memref<8208xi32, #tpu.memory_space<vmem>>, vector<16xi32>, vector<16xi1>
      %convert_element_type3A_476 = arith.extui %and3A_460 : vector<16xi1> to vector<16xi32>
      %reduce_sum3A_477 = arith.constant true
      %reduce_sum3A_478 = vector.broadcast %reduce_sum3A_477 : i1 to vector<16xi1>
      %reduce_sum3A_479 = tpu.scan <sum>, %convert_element_type3A_476 masked %reduce_sum3A_478 : vector<16xi32>, vector<16xi1> -> vector<16xi32>
      %reduce_sum3A_480 = vector.extract %reduce_sum3A_479[15] : i32 from vector<16xi32>
      %add3A_481 = arith.addi %add3A_440, %reduce_sum3A_480 : i32
      scf.yield %add3A_481 : i32
    }
    %scan3A_55 = arith.constant 512 : i32
    %swap3A = arith.index_cast %scan3A_54 : i32 to index
    %swap3A_56 = tpu.vector_load %arg5[%swap3A] {strides = array<i32>} : memref<8208xi32, #tpu.memory_space<vmem>>, vector<16xi32>,
    tpu.vector_store %arg5[%swap3A], %broadcast_in_dim3A_40 {strides = array<i32>} : memref<8208xi32, #tpu.memory_space<vmem>>, vector<16xi32>,
    %add3A_57 = arith.constant 15 : i32
    %add3A_58 = arith.addi %scan3A_54, %add3A_57 : i32
    %shift_right_arithmetic3A = arith.constant 4 : i32
    %shift_right_arithmetic3A_59 = arith.shrsi %add3A_58, %shift_right_arithmetic3A : i32
    %mul3A_60 = arith.constant 128 : i32
    %mul3A_61 = arith.muli %select_n3A_9, %mul3A_60 : i32
    %ge3A = arith.constant 0 : i32
    %ge3A_62 = arith.constant 3 : i32
    %ge3A_63 = arith.cmpi sge, %ge3A, %ge3A_62 : i32
    %convert_element_type3A = arith.extui %ge3A_63 : i1 to i32
    %cond3A = arith.constant 0 : i32
    %cond3A_64 = arith.constant 0 : i32
    %cond3A_65 = arith.cmpi ne, %convert_element_type3A, %cond3A_64 : i32
    scf.if %cond3A_65 {
      %sub3A_321 = arith.constant 3 : i32
      %sub3A_322 = arith.subi %cond3A, %sub3A_321 : i32
      %mul3A_323 = arith.constant 200 : i32
      %mul3A_324 = arith.muli %sub3A_322, %mul3A_323 : i32
      %add3A_325 = arith.addi %mul3A_32, %mul3A_324 : i32
      %dma_wait3A_326 = tpu.memref_slice %arg3[%add3A_325, %mul3A_61] : memref<100000x1024xf32, #tpu.memory_space<hbm>> -> memref<200x128xf32, #tpu.memory_space<hbm>>
      %dma_wait3A_327 = tpu.memref_slice %arg3[%add3A_325, %mul3A_61] : memref<100000x1024xf32, #tpu.memory_space<hbm>> -> memref<200x128xf32, #tpu.memory_space<hbm>>
      tpu.wait_dma2 semaphore(%arg12 : memref<!tpu.dma_semaphore, #tpu.memory_space<semaphore_mem>>) src(%arg9 : memref<200x128xf32, #tpu.memory_space<vmem>>) dst(%dma_wait3A_327 : memref<200x128xf32, #tpu.memory_space<hbm>>)
    } else {
    }
    %add3A_66 = arith.constant 0 : i32
    %add3A_67 = arith.constant 15 : i32
    %add3A_68 = arith.addi %add3A_66, %add3A_67 : i32
    %shift_right_arithmetic3A_69 = arith.constant 4 : i32
    %shift_right_arithmetic3A_70 = arith.shrsi %add3A_68, %shift_right_arithmetic3A_69 : i32
    %while3A = arith.constant 0 : i32
    %while3A_71 = arith.constant 0 : i32
    %while3A_72 = arith.subi %shift_right_arithmetic3A_70, %while3A_71 : i32
    %while3A_73 = arith.addi %while3A_71, %while3A_72 : i32
    %while3A_74 = arith.constant 1 : i32
    %while3A_75 = arith.divsi %while3A_72, %while3A_74 : i32
    %while3A_76 = arith.muli %while3A_75, %while3A_74 : i32
    %while3A_77 = arith.addi %while3A_71, %while3A_76 : i32
    %while3A_78 = arith.constant 1 : i32
    scf.for %while3A_321 = %while3A_71 to %while3A_77 step %while3A_78  : i32 {
      %mul3A_322 = arith.constant 16 : i32
      %mul3A_323 = arith.muli %while3A_321, %mul3A_322 : i32
      %get3A = arith.index_cast %mul3A_323 : i32 to index
      %get3A_324 = tpu.vector_load %arg6[%get3A] {strides = array<i32>} : memref<8208xi32, #tpu.memory_space<vmem>>, vector<16xi32>,
      %shift_right_arithmetic3A_325 = arith.constant 7 : i32
      %shift_right_arithmetic3A_326 = vector.broadcast %shift_right_arithmetic3A_325 : i32 to vector<16xi32>
      %shift_right_arithmetic3A_327 = arith.shrsi %get3A_324, %shift_right_arithmetic3A_326 : vector<16xi32>
      %and3A_328 = arith.constant 127 : i32
      %and3A_329 = vector.broadcast %and3A_328 : i32 to vector<16xi32>
      %and3A_330 = arith.andi %get3A_324, %and3A_329 : vector<16xi32>
      %lt3A_331 = arith.constant 25600 : i32
      %lt3A_332 = vector.broadcast %lt3A_331 : i32 to vector<16xi32>
      %lt3A_333 = arith.cmpi slt, %get3A_324, %lt3A_332 : vector<16xi32>
      tpu.vector_store_idx %arg9[%shift_right_arithmetic3A_327, %and3A_330], %broadcast_in_dim3A_38 masked %lt3A_333 : memref<200x128xf32, #tpu.memory_space<vmem>>[vector<16xi32>, vector<16xi32>], vector<16xf32>, vector<16xi1>
    }
    %while3A_79 = arith.constant 1 : i32
    scf.for %while3A_321 = %while3A_77 to %while3A_73 step %while3A_79  : i32 {
      %mul3A_322 = arith.constant 16 : i32
      %mul3A_323 = arith.muli %while3A_321, %mul3A_322 : i32
      %get3A = arith.index_cast %mul3A_323 : i32 to index
      %get3A_324 = tpu.vector_load %arg6[%get3A] {strides = array<i32>} : memref<8208xi32, #tpu.memory_space<vmem>>, vector<16xi32>,
      %shift_right_arithmetic3A_325 = arith.constant 7 : i32
      %shift_right_arithmetic3A_326 = vector.broadcast %shift_right_arithmetic3A_325 : i32 to vector<16xi32>
      %shift_right_arithmetic3A_327 = arith.shrsi %get3A_324, %shift_right_arithmetic3A_326 : vector<16xi32>
      %and3A_328 = arith.constant 127 : i32
      %and3A_329 = vector.broadcast %and3A_328 : i32 to vector<16xi32>
      %and3A_330 = arith.andi %get3A_324, %and3A_329 : vector<16xi32>
      %lt3A_331 = arith.constant 25600 : i32
      %lt3A_332 = vector.broadcast %lt3A_331 : i32 to vector<16xi32>
      %lt3A_333 = arith.cmpi slt, %get3A_324, %lt3A_332 : vector<16xi32>
      tpu.vector_store_idx %arg9[%shift_right_arithmetic3A_327, %and3A_330], %broadcast_in_dim3A_38 masked %lt3A_333 : memref<200x128xf32, #tpu.memory_space<vmem>>[vector<16xi32>, vector<16xi32>], vector<16xf32>, vector<16xi1>
    }
    %mul3A_80 = arith.constant 0 : i32
    %mul3A_81 = arith.constant 25600 : i32
    %mul3A_82 = arith.muli %mul3A_80, %mul3A_81 : i32
    %while3A_83 = arith.constant 0 : i32
    %while3A_84 = arith.constant 0 : i32
    %while3A_85 = arith.subi %shift_right_arithmetic3A_59, %while3A_83 : i32
    %while3A_86 = arith.addi %while3A_83, %while3A_85 : i32
    %while3A_87 = arith.constant 1 : i32
    %while3A_88 = arith.divsi %while3A_85, %while3A_87 : i32
    %while3A_89 = arith.muli %while3A_88, %while3A_87 : i32
    %while3A_90 = arith.addi %while3A_83, %while3A_89 : i32
    %while3A_91 = arith.constant 1 : i32
    %while3A_92 = scf.for %while3A_321 = %while3A_83 to %while3A_90 step %while3A_91 iter_args(%while3A_322 = %while3A_84) -> (i32)  : i32 {
      %mul3A_323 = arith.constant 16 : i32
      %mul3A_324 = arith.muli %while3A_321, %mul3A_323 : i32
      %get3A = arith.index_cast %mul3A_324 : i32 to index
      %get3A_325 = tpu.vector_load %arg5[%get3A] {strides = array<i32>} : memref<8208xi32, #tpu.memory_space<vmem>>, vector<16xi32>,
      %sub3A_326 = vector.broadcast %mul3A_82 : i32 to vector<16xi32>
      %sub3A_327 = arith.subi %get3A_325, %sub3A_326 : vector<16xi32>
      %ge3A_328 = arith.constant 0 : i32
      %ge3A_329 = vector.broadcast %ge3A_328 : i32 to vector<16xi32>
      %ge3A_330 = arith.cmpi sge, %sub3A_327, %ge3A_329 : vector<16xi32>
      %lt3A_331 = arith.constant 25600 : i32
      %lt3A_332 = vector.broadcast %lt3A_331 : i32 to vector<16xi32>
      %lt3A_333 = arith.cmpi slt, %sub3A_327, %lt3A_332 : vector<16xi32>
      %and3A_334 = arith.andi %ge3A_330, %lt3A_333 : vector<16xi1>
      %shift_right_arithmetic3A_335 = arith.constant 7 : i32
      %shift_right_arithmetic3A_336 = vector.broadcast %shift_right_arithmetic3A_335 : i32 to vector<16xi32>
      %shift_right_arithmetic3A_337 = arith.shrsi %sub3A_327, %shift_right_arithmetic3A_336 : vector<16xi32>
      %and3A_338 = arith.constant 127 : i32
      %and3A_339 = vector.broadcast %and3A_338 : i32 to vector<16xi32>
      %and3A_340 = arith.andi %sub3A_327, %and3A_339 : vector<16xi32>
      tpu.vector_store_idx %arg9[%shift_right_arithmetic3A_337, %and3A_340], %broadcast_in_dim3A_36 masked %and3A_334 : memref<200x128xf32, #tpu.memory_space<vmem>>[vector<16xi32>, vector<16xi32>], vector<16xf32>, vector<16xi1>
      %swap3A_341 = arith.index_cast %while3A_322 : i32 to index
      %swap3A_342 = tpu.vector_load %arg6[%swap3A_341] masked %and3A_334 {strides = array<i32>} : memref<8208xi32, #tpu.memory_space<vmem>>, vector<16xi32>, vector<16xi1>
      tpu.vector_store %arg6[%swap3A_341], %sub3A_327 masked %and3A_334 {strides = array<i32>} : memref<8208xi32, #tpu.memory_space<vmem>>, vector<16xi32>, vector<16xi1>
      %convert_element_type3A_343 = arith.extui %and3A_334 : vector<16xi1> to vector<16xi32>
      %reduce_sum3A = arith.constant true
      %reduce_sum3A_344 = vector.broadcast %reduce_sum3A : i1 to vector<16xi1>
      %reduce_sum3A_345 = tpu.scan <sum>, %convert_element_type3A_343 masked %reduce_sum3A_344 : vector<16xi32>, vector<16xi1> -> vector<16xi32>
      %reduce_sum3A_346 = vector.extract %reduce_sum3A_345[15] : i32 from vector<16xi32>
      %add3A_347 = arith.addi %while3A_322, %reduce_sum3A_346 : i32
      scf.yield %add3A_347 : i32
    }
    %while3A_93 = arith.constant 1 : i32
    %while3A_94 = scf.for %while3A_321 = %while3A_90 to %while3A_86 step %while3A_93 iter_args(%while3A_322 = %while3A_92) -> (i32)  : i32 {
      %mul3A_323 = arith.constant 16 : i32
      %mul3A_324 = arith.muli %while3A_321, %mul3A_323 : i32
      %get3A = arith.index_cast %mul3A_324 : i32 to index
      %get3A_325 = tpu.vector_load %arg5[%get3A] {strides = array<i32>} : memref<8208xi32, #tpu.memory_space<vmem>>, vector<16xi32>,
      %sub3A_326 = vector.broadcast %mul3A_82 : i32 to vector<16xi32>
      %sub3A_327 = arith.subi %get3A_325, %sub3A_326 : vector<16xi32>
      %ge3A_328 = arith.constant 0 : i32
      %ge3A_329 = vector.broadcast %ge3A_328 : i32 to vector<16xi32>
      %ge3A_330 = arith.cmpi sge, %sub3A_327, %ge3A_329 : vector<16xi32>
      %lt3A_331 = arith.constant 25600 : i32
      %lt3A_332 = vector.broadcast %lt3A_331 : i32 to vector<16xi32>
      %lt3A_333 = arith.cmpi slt, %sub3A_327, %lt3A_332 : vector<16xi32>
      %and3A_334 = arith.andi %ge3A_330, %lt3A_333 : vector<16xi1>
      %shift_right_arithmetic3A_335 = arith.constant 7 : i32
      %shift_right_arithmetic3A_336 = vector.broadcast %shift_right_arithmetic3A_335 : i32 to vector<16xi32>
      %shift_right_arithmetic3A_337 = arith.shrsi %sub3A_327, %shift_right_arithmetic3A_336 : vector<16xi32>
      %and3A_338 = arith.constant 127 : i32
      %and3A_339 = vector.broadcast %and3A_338 : i32 to vector<16xi32>
      %and3A_340 = arith.andi %sub3A_327, %and3A_339 : vector<16xi32>
      tpu.vector_store_idx %arg9[%shift_right_arithmetic3A_337, %and3A_340], %broadcast_in_dim3A_36 masked %and3A_334 : memref<200x128xf32, #tpu.memory_space<vmem>>[vector<16xi32>, vector<16xi32>], vector<16xf32>, vector<16xi1>
      %swap3A_341 = arith.index_cast %while3A_322 : i32 to index
      %swap3A_342 = tpu.vector_load %arg6[%swap3A_341] masked %and3A_334 {strides = array<i32>} : memref<8208xi32, #tpu.memory_space<vmem>>, vector<16xi32>, vector<16xi1>
      tpu.vector_store %arg6[%swap3A_341], %sub3A_327 masked %and3A_334 {strides = array<i32>} : memref<8208xi32, #tpu.memory_space<vmem>>, vector<16xi32>, vector<16xi1>
      %convert_element_type3A_343 = arith.extui %and3A_334 : vector<16xi1> to vector<16xi32>
      %reduce_sum3A = arith.constant true
      %reduce_sum3A_344 = vector.broadcast %reduce_sum3A : i1 to vector<16xi1>
      %reduce_sum3A_345 = tpu.scan <sum>, %convert_element_type3A_343 masked %reduce_sum3A_344 : vector<16xi32>, vector<16xi1> -> vector<16xi32>
      %reduce_sum3A_346 = vector.extract %reduce_sum3A_345[15] : i32 from vector<16xi32>
      %add3A_347 = arith.addi %while3A_322, %reduce_sum3A_346 : i32
      scf.yield %add3A_347 : i32
    }
    %swap3A_95 = arith.index_cast %while3A_94 : i32 to index
    %swap3A_96 = tpu.vector_load %arg6[%swap3A_95] {strides = array<i32>} : memref<8208xi32, #tpu.memory_space<vmem>>, vector<16xi32>,
    tpu.vector_store %arg6[%swap3A_95], %broadcast_in_dim3A_40 {strides = array<i32>} : memref<8208xi32, #tpu.memory_space<vmem>>, vector<16xi32>,
    %mul3A_97 = arith.constant 0 : i32
    %mul3A_98 = arith.constant 200 : i32
    %mul3A_99 = arith.muli %mul3A_97, %mul3A_98 : i32
    %add3A_100 = arith.addi %mul3A_32, %mul3A_99 : i32
    %dma_start3A_101 = tpu.memref_slice %arg3[%add3A_100, %mul3A_61] : memref<100000x1024xf32, #tpu.memory_space<hbm>> -> memref<200x128xf32, #tpu.memory_space<hbm>>
    %dma_start3A_102 = tpu.memref_slice %arg3[%add3A_100, %mul3A_61] : memref<100000x1024xf32, #tpu.memory_space<hbm>> -> memref<200x128xf32, #tpu.memory_space<hbm>>
    tpu.enqueue_dma source(%arg9 : memref<200x128xf32, #tpu.memory_space<vmem>>) target(%dma_start3A_102 : memref<200x128xf32, #tpu.memory_space<hbm>>) target_semaphore(%arg12 : memref<!tpu.dma_semaphore, #tpu.memory_space<semaphore_mem>>)
    %broadcast_in_dim3A_103 = arith.constant 0.000000e+00 : f32
    %broadcast_in_dim3A_104 = vector.broadcast %broadcast_in_dim3A_103 : f32 to vector<16xf32>
    %scan3A_105 = arith.constant 0 : i32
    %scan3A_106 = arith.constant 0 : i32
    %scan3A_107 = arith.constant 1600 : i32
    %scan3A_108 = arith.addi %scan3A_106, %scan3A_107 : i32
    %scan3A_109 = arith.constant 8 : i32
    scf.for %scan3A_321 = %scan3A_106 to %scan3A_108 step %scan3A_109  : i32 {
      %shift_right_arithmetic3A_322 = arith.constant 3 : i32
      %shift_right_arithmetic3A_323 = arith.shrsi %scan3A_321, %shift_right_arithmetic3A_322 : i32
      %and3A_324 = arith.constant 7 : i32
      %and3A_325 = arith.andi %scan3A_321, %and3A_324 : i32
      %mul3A_326 = arith.constant 16 : i32
      %mul3A_327 = arith.muli %and3A_325, %mul3A_326 : i32
      %swap3A_328 = arith.index_cast %shift_right_arithmetic3A_323 : i32 to index
      %swap3A_329 = arith.index_cast %mul3A_327 : i32 to index
      %swap3A_330 = tpu.vector_load %arg10[%swap3A_328, %swap3A_329] {strides = array<i32>} : memref<200x128xf32, #tpu.memory_space<vmem>>, vector<16xf32>,
      tpu.vector_store %arg10[%swap3A_328, %swap3A_329], %broadcast_in_dim3A_104 {strides = array<i32>} : memref<200x128xf32, #tpu.memory_space<vmem>>, vector<16xf32>,
      %scan3A_331 = arith.constant 1 : i32
      %scan3A_332 = arith.addi %scan3A_321, %scan3A_331 : i32
      %shift_right_arithmetic3A_333 = arith.constant 3 : i32
      %shift_right_arithmetic3A_334 = arith.shrsi %scan3A_332, %shift_right_arithmetic3A_333 : i32
      %and3A_335 = arith.constant 7 : i32
      %and3A_336 = arith.andi %scan3A_332, %and3A_335 : i32
      %mul3A_337 = arith.constant 16 : i32
      %mul3A_338 = arith.muli %and3A_336, %mul3A_337 : i32
      %swap3A_339 = arith.index_cast %shift_right_arithmetic3A_334 : i32 to index
      %swap3A_340 = arith.index_cast %mul3A_338 : i32 to index
      %swap3A_341 = tpu.vector_load %arg10[%swap3A_339, %swap3A_340] {strides = array<i32>} : memref<200x128xf32, #tpu.memory_space<vmem>>, vector<16xf32>,
      tpu.vector_store %arg10[%swap3A_339, %swap3A_340], %broadcast_in_dim3A_104 {strides = array<i32>} : memref<200x128xf32, #tpu.memory_space<vmem>>, vector<16xf32>,
      %scan3A_342 = arith.constant 2 : i32
      %scan3A_343 = arith.addi %scan3A_321, %scan3A_342 : i32
      %shift_right_arithmetic3A_344 = arith.constant 3 : i32
      %shift_right_arithmetic3A_345 = arith.shrsi %scan3A_343, %shift_right_arithmetic3A_344 : i32
      %and3A_346 = arith.constant 7 : i32
      %and3A_347 = arith.andi %scan3A_343, %and3A_346 : i32
      %mul3A_348 = arith.constant 16 : i32
      %mul3A_349 = arith.muli %and3A_347, %mul3A_348 : i32
      %swap3A_350 = arith.index_cast %shift_right_arithmetic3A_345 : i32 to index
      %swap3A_351 = arith.index_cast %mul3A_349 : i32 to index
      %swap3A_352 = tpu.vector_load %arg10[%swap3A_350, %swap3A_351] {strides = array<i32>} : memref<200x128xf32, #tpu.memory_space<vmem>>, vector<16xf32>,
      tpu.vector_store %arg10[%swap3A_350, %swap3A_351], %broadcast_in_dim3A_104 {strides = array<i32>} : memref<200x128xf32, #tpu.memory_space<vmem>>, vector<16xf32>,
      %scan3A_353 = arith.constant 3 : i32
      %scan3A_354 = arith.addi %scan3A_321, %scan3A_353 : i32
      %shift_right_arithmetic3A_355 = arith.constant 3 : i32
      %shift_right_arithmetic3A_356 = arith.shrsi %scan3A_354, %shift_right_arithmetic3A_355 : i32
      %and3A_357 = arith.constant 7 : i32
      %and3A_358 = arith.andi %scan3A_354, %and3A_357 : i32
      %mul3A_359 = arith.constant 16 : i32
      %mul3A_360 = arith.muli %and3A_358, %mul3A_359 : i32
      %swap3A_361 = arith.index_cast %shift_right_arithmetic3A_356 : i32 to index
      %swap3A_362 = arith.index_cast %mul3A_360 : i32 to index
      %swap3A_363 = tpu.vector_load %arg10[%swap3A_361, %swap3A_362] {strides = array<i32>} : memref<200x128xf32, #tpu.memory_space<vmem>>, vector<16xf32>,
      tpu.vector_store %arg10[%swap3A_361, %swap3A_362], %broadcast_in_dim3A_104 {strides = array<i32>} : memref<200x128xf32, #tpu.memory_space<vmem>>, vector<16xf32>,
      %scan3A_364 = arith.constant 4 : i32
      %scan3A_365 = arith.addi %scan3A_321, %scan3A_364 : i32
      %shift_right_arithmetic3A_366 = arith.constant 3 : i32
      %shift_right_arithmetic3A_367 = arith.shrsi %scan3A_365, %shift_right_arithmetic3A_366 : i32
      %and3A_368 = arith.constant 7 : i32
      %and3A_369 = arith.andi %scan3A_365, %and3A_368 : i32
      %mul3A_370 = arith.constant 16 : i32
      %mul3A_371 = arith.muli %and3A_369, %mul3A_370 : i32
      %swap3A_372 = arith.index_cast %shift_right_arithmetic3A_367 : i32 to index
      %swap3A_373 = arith.index_cast %mul3A_371 : i32 to index
      %swap3A_374 = tpu.vector_load %arg10[%swap3A_372, %swap3A_373] {strides = array<i32>} : memref<200x128xf32, #tpu.memory_space<vmem>>, vector<16xf32>,
      tpu.vector_store %arg10[%swap3A_372, %swap3A_373], %broadcast_in_dim3A_104 {strides = array<i32>} : memref<200x128xf32, #tpu.memory_space<vmem>>, vector<16xf32>,
      %scan3A_375 = arith.constant 5 : i32
      %scan3A_376 = arith.addi %scan3A_321, %scan3A_375 : i32
      %shift_right_arithmetic3A_377 = arith.constant 3 : i32
      %shift_right_arithmetic3A_378 = arith.shrsi %scan3A_376, %shift_right_arithmetic3A_377 : i32
      %and3A_379 = arith.constant 7 : i32
      %and3A_380 = arith.andi %scan3A_376, %and3A_379 : i32
      %mul3A_381 = arith.constant 16 : i32
      %mul3A_382 = arith.muli %and3A_380, %mul3A_381 : i32
      %swap3A_383 = arith.index_cast %shift_right_arithmetic3A_378 : i32 to index
      %swap3A_384 = arith.index_cast %mul3A_382 : i32 to index
      %swap3A_385 = tpu.vector_load %arg10[%swap3A_383, %swap3A_384] {strides = array<i32>} : memref<200x128xf32, #tpu.memory_space<vmem>>, vector<16xf32>,
      tpu.vector_store %arg10[%swap3A_383, %swap3A_384], %broadcast_in_dim3A_104 {strides = array<i32>} : memref<200x128xf32, #tpu.memory_space<vmem>>, vector<16xf32>,
      %scan3A_386 = arith.constant 6 : i32
      %scan3A_387 = arith.addi %scan3A_321, %scan3A_386 : i32
      %shift_right_arithmetic3A_388 = arith.constant 3 : i32
      %shift_right_arithmetic3A_389 = arith.shrsi %scan3A_387, %shift_right_arithmetic3A_388 : i32
      %and3A_390 = arith.constant 7 : i32
      %and3A_391 = arith.andi %scan3A_387, %and3A_390 : i32
      %mul3A_392 = arith.constant 16 : i32
      %mul3A_393 = arith.muli %and3A_391, %mul3A_392 : i32
      %swap3A_394 = arith.index_cast %shift_right_arithmetic3A_389 : i32 to index
      %swap3A_395 = arith.index_cast %mul3A_393 : i32 to index
      %swap3A_396 = tpu.vector_load %arg10[%swap3A_394, %swap3A_395] {strides = array<i32>} : memref<200x128xf32, #tpu.memory_space<vmem>>, vector<16xf32>,
      tpu.vector_store %arg10[%swap3A_394, %swap3A_395], %broadcast_in_dim3A_104 {strides = array<i32>} : memref<200x128xf32, #tpu.memory_space<vmem>>, vector<16xf32>,
      %scan3A_397 = arith.constant 7 : i32
      %scan3A_398 = arith.addi %scan3A_321, %scan3A_397 : i32
      %shift_right_arithmetic3A_399 = arith.constant 3 : i32
      %shift_right_arithmetic3A_400 = arith.shrsi %scan3A_398, %shift_right_arithmetic3A_399 : i32
      %and3A_401 = arith.constant 7 : i32
      %and3A_402 = arith.andi %scan3A_398, %and3A_401 : i32
      %mul3A_403 = arith.constant 16 : i32
      %mul3A_404 = arith.muli %and3A_402, %mul3A_403 : i32
      %swap3A_405 = arith.index_cast %shift_right_arithmetic3A_400 : i32 to index
      %swap3A_406 = arith.index_cast %mul3A_404 : i32 to index
      %swap3A_407 = tpu.vector_load %arg10[%swap3A_405, %swap3A_406] {strides = array<i32>} : memref<200x128xf32, #tpu.memory_space<vmem>>, vector<16xf32>,
      tpu.vector_store %arg10[%swap3A_405, %swap3A_406], %broadcast_in_dim3A_104 {strides = array<i32>} : memref<200x128xf32, #tpu.memory_space<vmem>>, vector<16xf32>,
    }
    %scan3A_110 = arith.constant 1600 : i32
    %ge3A_111 = arith.constant 1 : i32
    %ge3A_112 = arith.constant 3 : i32
    %ge3A_113 = arith.cmpi sge, %ge3A_111, %ge3A_112 : i32
    %convert_element_type3A_114 = arith.extui %ge3A_113 : i1 to i32
    %cond3A_115 = arith.constant 1 : i32
    %cond3A_116 = arith.constant 0 : i32
    %cond3A_117 = arith.cmpi ne, %convert_element_type3A_114, %cond3A_116 : i32
    scf.if %cond3A_117 {
      %sub3A_321 = arith.constant 3 : i32
      %sub3A_322 = arith.subi %cond3A_115, %sub3A_321 : i32
      %mul3A_323 = arith.constant 200 : i32
      %mul3A_324 = arith.muli %sub3A_322, %mul3A_323 : i32
      %add3A_325 = arith.addi %mul3A_32, %mul3A_324 : i32
      %dma_wait3A_326 = tpu.memref_slice %arg3[%add3A_325, %mul3A_61] : memref<100000x1024xf32, #tpu.memory_space<hbm>> -> memref<200x128xf32, #tpu.memory_space<hbm>>
      %dma_wait3A_327 = tpu.memref_slice %arg3[%add3A_325, %mul3A_61] : memref<100000x1024xf32, #tpu.memory_space<hbm>> -> memref<200x128xf32, #tpu.memory_space<hbm>>
      tpu.wait_dma2 semaphore(%arg13 : memref<!tpu.dma_semaphore, #tpu.memory_space<semaphore_mem>>) src(%arg10 : memref<200x128xf32, #tpu.memory_space<vmem>>) dst(%dma_wait3A_327 : memref<200x128xf32, #tpu.memory_space<hbm>>)
    } else {
    }
    %add3A_118 = arith.constant 0 : i32
    %add3A_119 = arith.constant 15 : i32
    %add3A_120 = arith.addi %add3A_118, %add3A_119 : i32
    %shift_right_arithmetic3A_121 = arith.constant 4 : i32
    %shift_right_arithmetic3A_122 = arith.shrsi %add3A_120, %shift_right_arithmetic3A_121 : i32
    %while3A_123 = arith.constant 0 : i32
    %while3A_124 = arith.constant 0 : i32
    %while3A_125 = arith.subi %shift_right_arithmetic3A_122, %while3A_124 : i32
    %while3A_126 = arith.addi %while3A_124, %while3A_125 : i32
    %while3A_127 = arith.constant 1 : i32
    %while3A_128 = arith.divsi %while3A_125, %while3A_127 : i32
    %while3A_129 = arith.muli %while3A_128, %while3A_127 : i32
    %while3A_130 = arith.addi %while3A_124, %while3A_129 : i32
    %while3A_131 = arith.constant 1 : i32
    scf.for %while3A_321 = %while3A_124 to %while3A_130 step %while3A_131  : i32 {
      %mul3A_322 = arith.constant 16 : i32
      %mul3A_323 = arith.muli %while3A_321, %mul3A_322 : i32
      %get3A = arith.index_cast %mul3A_323 : i32 to index
      %get3A_324 = tpu.vector_load %arg7[%get3A] {strides = array<i32>} : memref<8208xi32, #tpu.memory_space<vmem>>, vector<16xi32>,
      %shift_right_arithmetic3A_325 = arith.constant 7 : i32
      %shift_right_arithmetic3A_326 = vector.broadcast %shift_right_arithmetic3A_325 : i32 to vector<16xi32>
      %shift_right_arithmetic3A_327 = arith.shrsi %get3A_324, %shift_right_arithmetic3A_326 : vector<16xi32>
      %and3A_328 = arith.constant 127 : i32
      %and3A_329 = vector.broadcast %and3A_328 : i32 to vector<16xi32>
      %and3A_330 = arith.andi %get3A_324, %and3A_329 : vector<16xi32>
      %lt3A_331 = arith.constant 25600 : i32
      %lt3A_332 = vector.broadcast %lt3A_331 : i32 to vector<16xi32>
      %lt3A_333 = arith.cmpi slt, %get3A_324, %lt3A_332 : vector<16xi32>
      tpu.vector_store_idx %arg10[%shift_right_arithmetic3A_327, %and3A_330], %broadcast_in_dim3A_38 masked %lt3A_333 : memref<200x128xf32, #tpu.memory_space<vmem>>[vector<16xi32>, vector<16xi32>], vector<16xf32>, vector<16xi1>
    }
    %while3A_132 = arith.constant 1 : i32
    scf.for %while3A_321 = %while3A_130 to %while3A_126 step %while3A_132  : i32 {
      %mul3A_322 = arith.constant 16 : i32
      %mul3A_323 = arith.muli %while3A_321, %mul3A_322 : i32
      %get3A = arith.index_cast %mul3A_323 : i32 to index
      %get3A_324 = tpu.vector_load %arg7[%get3A] {strides = array<i32>} : memref<8208xi32, #tpu.memory_space<vmem>>, vector<16xi32>,
      %shift_right_arithmetic3A_325 = arith.constant 7 : i32
      %shift_right_arithmetic3A_326 = vector.broadcast %shift_right_arithmetic3A_325 : i32 to vector<16xi32>
      %shift_right_arithmetic3A_327 = arith.shrsi %get3A_324, %shift_right_arithmetic3A_326 : vector<16xi32>
      %and3A_328 = arith.constant 127 : i32
      %and3A_329 = vector.broadcast %and3A_328 : i32 to vector<16xi32>
      %and3A_330 = arith.andi %get3A_324, %and3A_329 : vector<16xi32>
      %lt3A_331 = arith.constant 25600 : i32
      %lt3A_332 = vector.broadcast %lt3A_331 : i32 to vector<16xi32>
      %lt3A_333 = arith.cmpi slt, %get3A_324, %lt3A_332 : vector<16xi32>
      tpu.vector_store_idx %arg10[%shift_right_arithmetic3A_327, %and3A_330], %broadcast_in_dim3A_38 masked %lt3A_333 : memref<200x128xf32, #tpu.memory_space<vmem>>[vector<16xi32>, vector<16xi32>], vector<16xf32>, vector<16xi1>
    }
    %mul3A_133 = arith.constant 1 : i32
    %mul3A_134 = arith.constant 25600 : i32
    %mul3A_135 = arith.muli %mul3A_133, %mul3A_134 : i32
    %while3A_136 = arith.constant 0 : i32
    %while3A_137 = arith.constant 0 : i32
    %while3A_138 = arith.subi %shift_right_arithmetic3A_59, %while3A_136 : i32
    %while3A_139 = arith.addi %while3A_136, %while3A_138 : i32
    %while3A_140 = arith.constant 1 : i32
    %while3A_141 = arith.divsi %while3A_138, %while3A_140 : i32
    %while3A_142 = arith.muli %while3A_141, %while3A_140 : i32
    %while3A_143 = arith.addi %while3A_136, %while3A_142 : i32
    %while3A_144 = arith.constant 1 : i32
    %while3A_145 = scf.for %while3A_321 = %while3A_136 to %while3A_143 step %while3A_144 iter_args(%while3A_322 = %while3A_137) -> (i32)  : i32 {
      %mul3A_323 = arith.constant 16 : i32
      %mul3A_324 = arith.muli %while3A_321, %mul3A_323 : i32
      %get3A = arith.index_cast %mul3A_324 : i32 to index
      %get3A_325 = tpu.vector_load %arg5[%get3A] {strides = array<i32>} : memref<8208xi32, #tpu.memory_space<vmem>>, vector<16xi32>,
      %sub3A_326 = vector.broadcast %mul3A_135 : i32 to vector<16xi32>
      %sub3A_327 = arith.subi %get3A_325, %sub3A_326 : vector<16xi32>
      %ge3A_328 = arith.constant 0 : i32
      %ge3A_329 = vector.broadcast %ge3A_328 : i32 to vector<16xi32>
      %ge3A_330 = arith.cmpi sge, %sub3A_327, %ge3A_329 : vector<16xi32>
      %lt3A_331 = arith.constant 25600 : i32
      %lt3A_332 = vector.broadcast %lt3A_331 : i32 to vector<16xi32>
      %lt3A_333 = arith.cmpi slt, %sub3A_327, %lt3A_332 : vector<16xi32>
      %and3A_334 = arith.andi %ge3A_330, %lt3A_333 : vector<16xi1>
      %shift_right_arithmetic3A_335 = arith.constant 7 : i32
      %shift_right_arithmetic3A_336 = vector.broadcast %shift_right_arithmetic3A_335 : i32 to vector<16xi32>
      %shift_right_arithmetic3A_337 = arith.shrsi %sub3A_327, %shift_right_arithmetic3A_336 : vector<16xi32>
      %and3A_338 = arith.constant 127 : i32
      %and3A_339 = vector.broadcast %and3A_338 : i32 to vector<16xi32>
      %and3A_340 = arith.andi %sub3A_327, %and3A_339 : vector<16xi32>
      tpu.vector_store_idx %arg10[%shift_right_arithmetic3A_337, %and3A_340], %broadcast_in_dim3A_36 masked %and3A_334 : memref<200x128xf32, #tpu.memory_space<vmem>>[vector<16xi32>, vector<16xi32>], vector<16xf32>, vector<16xi1>
      %swap3A_341 = arith.index_cast %while3A_322 : i32 to index
      %swap3A_342 = tpu.vector_load %arg7[%swap3A_341] masked %and3A_334 {strides = array<i32>} : memref<8208xi32, #tpu.memory_space<vmem>>, vector<16xi32>, vector<16xi1>
      tpu.vector_store %arg7[%swap3A_341], %sub3A_327 masked %and3A_334 {strides = array<i32>} : memref<8208xi32, #tpu.memory_space<vmem>>, vector<16xi32>, vector<16xi1>
      %convert_element_type3A_343 = arith.extui %and3A_334 : vector<16xi1> to vector<16xi32>
      %reduce_sum3A = arith.constant true
      %reduce_sum3A_344 = vector.broadcast %reduce_sum3A : i1 to vector<16xi1>
      %reduce_sum3A_345 = tpu.scan <sum>, %convert_element_type3A_343 masked %reduce_sum3A_344 : vector<16xi32>, vector<16xi1> -> vector<16xi32>
      %reduce_sum3A_346 = vector.extract %reduce_sum3A_345[15] : i32 from vector<16xi32>
      %add3A_347 = arith.addi %while3A_322, %reduce_sum3A_346 : i32
      scf.yield %add3A_347 : i32
    }
    %while3A_146 = arith.constant 1 : i32
    %while3A_147 = scf.for %while3A_321 = %while3A_143 to %while3A_139 step %while3A_146 iter_args(%while3A_322 = %while3A_145) -> (i32)  : i32 {
      %mul3A_323 = arith.constant 16 : i32
      %mul3A_324 = arith.muli %while3A_321, %mul3A_323 : i32
      %get3A = arith.index_cast %mul3A_324 : i32 to index
      %get3A_325 = tpu.vector_load %arg5[%get3A] {strides = array<i32>} : memref<8208xi32, #tpu.memory_space<vmem>>, vector<16xi32>,
      %sub3A_326 = vector.broadcast %mul3A_135 : i32 to vector<16xi32>
      %sub3A_327 = arith.subi %get3A_325, %sub3A_326 : vector<16xi32>
      %ge3A_328 = arith.constant 0 : i32
      %ge3A_329 = vector.broadcast %ge3A_328 : i32 to vector<16xi32>
      %ge3A_330 = arith.cmpi sge, %sub3A_327, %ge3A_329 : vector<16xi32>
      %lt3A_331 = arith.constant 25600 : i32
      %lt3A_332 = vector.broadcast %lt3A_331 : i32 to vector<16xi32>
      %lt3A_333 = arith.cmpi slt, %sub3A_327, %lt3A_332 : vector<16xi32>
      %and3A_334 = arith.andi %ge3A_330, %lt3A_333 : vector<16xi1>
      %shift_right_arithmetic3A_335 = arith.constant 7 : i32
      %shift_right_arithmetic3A_336 = vector.broadcast %shift_right_arithmetic3A_335 : i32 to vector<16xi32>
      %shift_right_arithmetic3A_337 = arith.shrsi %sub3A_327, %shift_right_arithmetic3A_336 : vector<16xi32>
      %and3A_338 = arith.constant 127 : i32
      %and3A_339 = vector.broadcast %and3A_338 : i32 to vector<16xi32>
      %and3A_340 = arith.andi %sub3A_327, %and3A_339 : vector<16xi32>
      tpu.vector_store_idx %arg10[%shift_right_arithmetic3A_337, %and3A_340], %broadcast_in_dim3A_36 masked %and3A_334 : memref<200x128xf32, #tpu.memory_space<vmem>>[vector<16xi32>, vector<16xi32>], vector<16xf32>, vector<16xi1>
      %swap3A_341 = arith.index_cast %while3A_322 : i32 to index
      %swap3A_342 = tpu.vector_load %arg7[%swap3A_341] masked %and3A_334 {strides = array<i32>} : memref<8208xi32, #tpu.memory_space<vmem>>, vector<16xi32>, vector<16xi1>
      tpu.vector_store %arg7[%swap3A_341], %sub3A_327 masked %and3A_334 {strides = array<i32>} : memref<8208xi32, #tpu.memory_space<vmem>>, vector<16xi32>, vector<16xi1>
      %convert_element_type3A_343 = arith.extui %and3A_334 : vector<16xi1> to vector<16xi32>
      %reduce_sum3A = arith.constant true
      %reduce_sum3A_344 = vector.broadcast %reduce_sum3A : i1 to vector<16xi1>
      %reduce_sum3A_345 = tpu.scan <sum>, %convert_element_type3A_343 masked %reduce_sum3A_344 : vector<16xi32>, vector<16xi1> -> vector<16xi32>
      %reduce_sum3A_346 = vector.extract %reduce_sum3A_345[15] : i32 from vector<16xi32>
      %add3A_347 = arith.addi %while3A_322, %reduce_sum3A_346 : i32
      scf.yield %add3A_347 : i32
    }
    %swap3A_148 = arith.index_cast %while3A_147 : i32 to index
    %swap3A_149 = tpu.vector_load %arg7[%swap3A_148] {strides = array<i32>} : memref<8208xi32, #tpu.memory_space<vmem>>, vector<16xi32>,
    tpu.vector_store %arg7[%swap3A_148], %broadcast_in_dim3A_40 {strides = array<i32>} : memref<8208xi32, #tpu.memory_space<vmem>>, vector<16xi32>,
    %mul3A_150 = arith.constant 1 : i32
    %mul3A_151 = arith.constant 200 : i32
    %mul3A_152 = arith.muli %mul3A_150, %mul3A_151 : i32
    %add3A_153 = arith.addi %mul3A_32, %mul3A_152 : i32
    %dma_start3A_154 = tpu.memref_slice %arg3[%add3A_153, %mul3A_61] : memref<100000x1024xf32, #tpu.memory_space<hbm>> -> memref<200x128xf32, #tpu.memory_space<hbm>>
    %dma_start3A_155 = tpu.memref_slice %arg3[%add3A_153, %mul3A_61] : memref<100000x1024xf32, #tpu.memory_space<hbm>> -> memref<200x128xf32, #tpu.memory_space<hbm>>
    tpu.enqueue_dma source(%arg10 : memref<200x128xf32, #tpu.memory_space<vmem>>) target(%dma_start3A_155 : memref<200x128xf32, #tpu.memory_space<hbm>>) target_semaphore(%arg13 : memref<!tpu.dma_semaphore, #tpu.memory_space<semaphore_mem>>)
    %broadcast_in_dim3A_156 = arith.constant 0.000000e+00 : f32
    %broadcast_in_dim3A_157 = vector.broadcast %broadcast_in_dim3A_156 : f32 to vector<16xf32>
    %scan3A_158 = arith.constant 0 : i32
    %scan3A_159 = arith.constant 0 : i32
    %scan3A_160 = arith.constant 1600 : i32
    %scan3A_161 = arith.addi %scan3A_159, %scan3A_160 : i32
    %scan3A_162 = arith.constant 8 : i32
    scf.for %scan3A_321 = %scan3A_159 to %scan3A_161 step %scan3A_162  : i32 {
      %shift_right_arithmetic3A_322 = arith.constant 3 : i32
      %shift_right_arithmetic3A_323 = arith.shrsi %scan3A_321, %shift_right_arithmetic3A_322 : i32
      %and3A_324 = arith.constant 7 : i32
      %and3A_325 = arith.andi %scan3A_321, %and3A_324 : i32
      %mul3A_326 = arith.constant 16 : i32
      %mul3A_327 = arith.muli %and3A_325, %mul3A_326 : i32
      %swap3A_328 = arith.index_cast %shift_right_arithmetic3A_323 : i32 to index
      %swap3A_329 = arith.index_cast %mul3A_327 : i32 to index
      %swap3A_330 = tpu.vector_load %arg11[%swap3A_328, %swap3A_329] {strides = array<i32>} : memref<200x128xf32, #tpu.memory_space<vmem>>, vector<16xf32>,
      tpu.vector_store %arg11[%swap3A_328, %swap3A_329], %broadcast_in_dim3A_157 {strides = array<i32>} : memref<200x128xf32, #tpu.memory_space<vmem>>, vector<16xf32>,
      %scan3A_331 = arith.constant 1 : i32
      %scan3A_332 = arith.addi %scan3A_321, %scan3A_331 : i32
      %shift_right_arithmetic3A_333 = arith.constant 3 : i32
      %shift_right_arithmetic3A_334 = arith.shrsi %scan3A_332, %shift_right_arithmetic3A_333 : i32
      %and3A_335 = arith.constant 7 : i32
      %and3A_336 = arith.andi %scan3A_332, %and3A_335 : i32
      %mul3A_337 = arith.constant 16 : i32
      %mul3A_338 = arith.muli %and3A_336, %mul3A_337 : i32
      %swap3A_339 = arith.index_cast %shift_right_arithmetic3A_334 : i32 to index
      %swap3A_340 = arith.index_cast %mul3A_338 : i32 to index
      %swap3A_341 = tpu.vector_load %arg11[%swap3A_339, %swap3A_340] {strides = array<i32>} : memref<200x128xf32, #tpu.memory_space<vmem>>, vector<16xf32>,
      tpu.vector_store %arg11[%swap3A_339, %swap3A_340], %broadcast_in_dim3A_157 {strides = array<i32>} : memref<200x128xf32, #tpu.memory_space<vmem>>, vector<16xf32>,
      %scan3A_342 = arith.constant 2 : i32
      %scan3A_343 = arith.addi %scan3A_321, %scan3A_342 : i32
      %shift_right_arithmetic3A_344 = arith.constant 3 : i32
      %shift_right_arithmetic3A_345 = arith.shrsi %scan3A_343, %shift_right_arithmetic3A_344 : i32
      %and3A_346 = arith.constant 7 : i32
      %and3A_347 = arith.andi %scan3A_343, %and3A_346 : i32
      %mul3A_348 = arith.constant 16 : i32
      %mul3A_349 = arith.muli %and3A_347, %mul3A_348 : i32
      %swap3A_350 = arith.index_cast %shift_right_arithmetic3A_345 : i32 to index
      %swap3A_351 = arith.index_cast %mul3A_349 : i32 to index
      %swap3A_352 = tpu.vector_load %arg11[%swap3A_350, %swap3A_351] {strides = array<i32>} : memref<200x128xf32, #tpu.memory_space<vmem>>, vector<16xf32>,
      tpu.vector_store %arg11[%swap3A_350, %swap3A_351], %broadcast_in_dim3A_157 {strides = array<i32>} : memref<200x128xf32, #tpu.memory_space<vmem>>, vector<16xf32>,
      %scan3A_353 = arith.constant 3 : i32
      %scan3A_354 = arith.addi %scan3A_321, %scan3A_353 : i32
      %shift_right_arithmetic3A_355 = arith.constant 3 : i32
      %shift_right_arithmetic3A_356 = arith.shrsi %scan3A_354, %shift_right_arithmetic3A_355 : i32
      %and3A_357 = arith.constant 7 : i32
      %and3A_358 = arith.andi %scan3A_354, %and3A_357 : i32
      %mul3A_359 = arith.constant 16 : i32
      %mul3A_360 = arith.muli %and3A_358, %mul3A_359 : i32
      %swap3A_361 = arith.index_cast %shift_right_arithmetic3A_356 : i32 to index
      %swap3A_362 = arith.index_cast %mul3A_360 : i32 to index
      %swap3A_363 = tpu.vector_load %arg11[%swap3A_361, %swap3A_362] {strides = array<i32>} : memref<200x128xf32, #tpu.memory_space<vmem>>, vector<16xf32>,
      tpu.vector_store %arg11[%swap3A_361, %swap3A_362], %broadcast_in_dim3A_157 {strides = array<i32>} : memref<200x128xf32, #tpu.memory_space<vmem>>, vector<16xf32>,
      %scan3A_364 = arith.constant 4 : i32
      %scan3A_365 = arith.addi %scan3A_321, %scan3A_364 : i32
      %shift_right_arithmetic3A_366 = arith.constant 3 : i32
      %shift_right_arithmetic3A_367 = arith.shrsi %scan3A_365, %shift_right_arithmetic3A_366 : i32
      %and3A_368 = arith.constant 7 : i32
      %and3A_369 = arith.andi %scan3A_365, %and3A_368 : i32
      %mul3A_370 = arith.constant 16 : i32
      %mul3A_371 = arith.muli %and3A_369, %mul3A_370 : i32
      %swap3A_372 = arith.index_cast %shift_right_arithmetic3A_367 : i32 to index
      %swap3A_373 = arith.index_cast %mul3A_371 : i32 to index
      %swap3A_374 = tpu.vector_load %arg11[%swap3A_372, %swap3A_373] {strides = array<i32>} : memref<200x128xf32, #tpu.memory_space<vmem>>, vector<16xf32>,
      tpu.vector_store %arg11[%swap3A_372, %swap3A_373], %broadcast_in_dim3A_157 {strides = array<i32>} : memref<200x128xf32, #tpu.memory_space<vmem>>, vector<16xf32>,
      %scan3A_375 = arith.constant 5 : i32
      %scan3A_376 = arith.addi %scan3A_321, %scan3A_375 : i32
      %shift_right_arithmetic3A_377 = arith.constant 3 : i32
      %shift_right_arithmetic3A_378 = arith.shrsi %scan3A_376, %shift_right_arithmetic3A_377 : i32
      %and3A_379 = arith.constant 7 : i32
      %and3A_380 = arith.andi %scan3A_376, %and3A_379 : i32
      %mul3A_381 = arith.constant 16 : i32
      %mul3A_382 = arith.muli %and3A_380, %mul3A_381 : i32
      %swap3A_383 = arith.index_cast %shift_right_arithmetic3A_378 : i32 to index
      %swap3A_384 = arith.index_cast %mul3A_382 : i32 to index
      %swap3A_385 = tpu.vector_load %arg11[%swap3A_383, %swap3A_384] {strides = array<i32>} : memref<200x128xf32, #tpu.memory_space<vmem>>, vector<16xf32>,
      tpu.vector_store %arg11[%swap3A_383, %swap3A_384], %broadcast_in_dim3A_157 {strides = array<i32>} : memref<200x128xf32, #tpu.memory_space<vmem>>, vector<16xf32>,
      %scan3A_386 = arith.constant 6 : i32
      %scan3A_387 = arith.addi %scan3A_321, %scan3A_386 : i32
      %shift_right_arithmetic3A_388 = arith.constant 3 : i32
      %shift_right_arithmetic3A_389 = arith.shrsi %scan3A_387, %shift_right_arithmetic3A_388 : i32
      %and3A_390 = arith.constant 7 : i32
      %and3A_391 = arith.andi %scan3A_387, %and3A_390 : i32
      %mul3A_392 = arith.constant 16 : i32
      %mul3A_393 = arith.muli %and3A_391, %mul3A_392 : i32
      %swap3A_394 = arith.index_cast %shift_right_arithmetic3A_389 : i32 to index
      %swap3A_395 = arith.index_cast %mul3A_393 : i32 to index
      %swap3A_396 = tpu.vector_load %arg11[%swap3A_394, %swap3A_395] {strides = array<i32>} : memref<200x128xf32, #tpu.memory_space<vmem>>, vector<16xf32>,
      tpu.vector_store %arg11[%swap3A_394, %swap3A_395], %broadcast_in_dim3A_157 {strides = array<i32>} : memref<200x128xf32, #tpu.memory_space<vmem>>, vector<16xf32>,
      %scan3A_397 = arith.constant 7 : i32
      %scan3A_398 = arith.addi %scan3A_321, %scan3A_397 : i32
      %shift_right_arithmetic3A_399 = arith.constant 3 : i32
      %shift_right_arithmetic3A_400 = arith.shrsi %scan3A_398, %shift_right_arithmetic3A_399 : i32
      %and3A_401 = arith.constant 7 : i32
      %and3A_402 = arith.andi %scan3A_398, %and3A_401 : i32
      %mul3A_403 = arith.constant 16 : i32
      %mul3A_404 = arith.muli %and3A_402, %mul3A_403 : i32
      %swap3A_405 = arith.index_cast %shift_right_arithmetic3A_400 : i32 to index
      %swap3A_406 = arith.index_cast %mul3A_404 : i32 to index
      %swap3A_407 = tpu.vector_load %arg11[%swap3A_405, %swap3A_406] {strides = array<i32>} : memref<200x128xf32, #tpu.memory_space<vmem>>, vector<16xf32>,
      tpu.vector_store %arg11[%swap3A_405, %swap3A_406], %broadcast_in_dim3A_157 {strides = array<i32>} : memref<200x128xf32, #tpu.memory_space<vmem>>, vector<16xf32>,
    }
    %scan3A_163 = arith.constant 1600 : i32
    %ge3A_164 = arith.constant 2 : i32
    %ge3A_165 = arith.constant 3 : i32
    %ge3A_166 = arith.cmpi sge, %ge3A_164, %ge3A_165 : i32
    %convert_element_type3A_167 = arith.extui %ge3A_166 : i1 to i32
    %cond3A_168 = arith.constant 2 : i32
    %cond3A_169 = arith.constant 0 : i32
    %cond3A_170 = arith.cmpi ne, %convert_element_type3A_167, %cond3A_169 : i32
    scf.if %cond3A_170 {
      %sub3A_321 = arith.constant 3 : i32
      %sub3A_322 = arith.subi %cond3A_168, %sub3A_321 : i32
      %mul3A_323 = arith.constant 200 : i32
      %mul3A_324 = arith.muli %sub3A_322, %mul3A_323 : i32
      %add3A_325 = arith.addi %mul3A_32, %mul3A_324 : i32
      %dma_wait3A_326 = tpu.memref_slice %arg3[%add3A_325, %mul3A_61] : memref<100000x1024xf32, #tpu.memory_space<hbm>> -> memref<200x128xf32, #tpu.memory_space<hbm>>
      %dma_wait3A_327 = tpu.memref_slice %arg3[%add3A_325, %mul3A_61] : memref<100000x1024xf32, #tpu.memory_space<hbm>> -> memref<200x128xf32, #tpu.memory_space<hbm>>
      tpu.wait_dma2 semaphore(%arg14 : memref<!tpu.dma_semaphore, #tpu.memory_space<semaphore_mem>>) src(%arg11 : memref<200x128xf32, #tpu.memory_space<vmem>>) dst(%dma_wait3A_327 : memref<200x128xf32, #tpu.memory_space<hbm>>)
    } else {
    }
    %add3A_171 = arith.constant 0 : i32
    %add3A_172 = arith.constant 15 : i32
    %add3A_173 = arith.addi %add3A_171, %add3A_172 : i32
    %shift_right_arithmetic3A_174 = arith.constant 4 : i32
    %shift_right_arithmetic3A_175 = arith.shrsi %add3A_173, %shift_right_arithmetic3A_174 : i32
    %while3A_176 = arith.constant 0 : i32
    %while3A_177 = arith.constant 0 : i32
    %while3A_178 = arith.subi %shift_right_arithmetic3A_175, %while3A_177 : i32
    %while3A_179 = arith.addi %while3A_177, %while3A_178 : i32
    %while3A_180 = arith.constant 1 : i32
    %while3A_181 = arith.divsi %while3A_178, %while3A_180 : i32
    %while3A_182 = arith.muli %while3A_181, %while3A_180 : i32
    %while3A_183 = arith.addi %while3A_177, %while3A_182 : i32
    %while3A_184 = arith.constant 1 : i32
    scf.for %while3A_321 = %while3A_177 to %while3A_183 step %while3A_184  : i32 {
      %mul3A_322 = arith.constant 16 : i32
      %mul3A_323 = arith.muli %while3A_321, %mul3A_322 : i32
      %get3A = arith.index_cast %mul3A_323 : i32 to index
      %get3A_324 = tpu.vector_load %arg8[%get3A] {strides = array<i32>} : memref<8208xi32, #tpu.memory_space<vmem>>, vector<16xi32>,
      %shift_right_arithmetic3A_325 = arith.constant 7 : i32
      %shift_right_arithmetic3A_326 = vector.broadcast %shift_right_arithmetic3A_325 : i32 to vector<16xi32>
      %shift_right_arithmetic3A_327 = arith.shrsi %get3A_324, %shift_right_arithmetic3A_326 : vector<16xi32>
      %and3A_328 = arith.constant 127 : i32
      %and3A_329 = vector.broadcast %and3A_328 : i32 to vector<16xi32>
      %and3A_330 = arith.andi %get3A_324, %and3A_329 : vector<16xi32>
      %lt3A_331 = arith.constant 25600 : i32
      %lt3A_332 = vector.broadcast %lt3A_331 : i32 to vector<16xi32>
      %lt3A_333 = arith.cmpi slt, %get3A_324, %lt3A_332 : vector<16xi32>
      tpu.vector_store_idx %arg11[%shift_right_arithmetic3A_327, %and3A_330], %broadcast_in_dim3A_38 masked %lt3A_333 : memref<200x128xf32, #tpu.memory_space<vmem>>[vector<16xi32>, vector<16xi32>], vector<16xf32>, vector<16xi1>
    }
    %while3A_185 = arith.constant 1 : i32
    scf.for %while3A_321 = %while3A_183 to %while3A_179 step %while3A_185  : i32 {
      %mul3A_322 = arith.constant 16 : i32
      %mul3A_323 = arith.muli %while3A_321, %mul3A_322 : i32
      %get3A = arith.index_cast %mul3A_323 : i32 to index
      %get3A_324 = tpu.vector_load %arg8[%get3A] {strides = array<i32>} : memref<8208xi32, #tpu.memory_space<vmem>>, vector<16xi32>,
      %shift_right_arithmetic3A_325 = arith.constant 7 : i32
      %shift_right_arithmetic3A_326 = vector.broadcast %shift_right_arithmetic3A_325 : i32 to vector<16xi32>
      %shift_right_arithmetic3A_327 = arith.shrsi %get3A_324, %shift_right_arithmetic3A_326 : vector<16xi32>
      %and3A_328 = arith.constant 127 : i32
      %and3A_329 = vector.broadcast %and3A_328 : i32 to vector<16xi32>
      %and3A_330 = arith.andi %get3A_324, %and3A_329 : vector<16xi32>
      %lt3A_331 = arith.constant 25600 : i32
      %lt3A_332 = vector.broadcast %lt3A_331 : i32 to vector<16xi32>
      %lt3A_333 = arith.cmpi slt, %get3A_324, %lt3A_332 : vector<16xi32>
      tpu.vector_store_idx %arg11[%shift_right_arithmetic3A_327, %and3A_330], %broadcast_in_dim3A_38 masked %lt3A_333 : memref<200x128xf32, #tpu.memory_space<vmem>>[vector<16xi32>, vector<16xi32>], vector<16xf32>, vector<16xi1>
    }
    %mul3A_186 = arith.constant 2 : i32
    %mul3A_187 = arith.constant 25600 : i32
    %mul3A_188 = arith.muli %mul3A_186, %mul3A_187 : i32
    %while3A_189 = arith.constant 0 : i32
    %while3A_190 = arith.constant 0 : i32
    %while3A_191 = arith.subi %shift_right_arithmetic3A_59, %while3A_189 : i32
    %while3A_192 = arith.addi %while3A_189, %while3A_191 : i32
    %while3A_193 = arith.constant 1 : i32
    %while3A_194 = arith.divsi %while3A_191, %while3A_193 : i32
    %while3A_195 = arith.muli %while3A_194, %while3A_193 : i32
    %while3A_196 = arith.addi %while3A_189, %while3A_195 : i32
    %while3A_197 = arith.constant 1 : i32
    %while3A_198 = scf.for %while3A_321 = %while3A_189 to %while3A_196 step %while3A_197 iter_args(%while3A_322 = %while3A_190) -> (i32)  : i32 {
      %mul3A_323 = arith.constant 16 : i32
      %mul3A_324 = arith.muli %while3A_321, %mul3A_323 : i32
      %get3A = arith.index_cast %mul3A_324 : i32 to index
      %get3A_325 = tpu.vector_load %arg5[%get3A] {strides = array<i32>} : memref<8208xi32, #tpu.memory_space<vmem>>, vector<16xi32>,
      %sub3A_326 = vector.broadcast %mul3A_188 : i32 to vector<16xi32>
      %sub3A_327 = arith.subi %get3A_325, %sub3A_326 : vector<16xi32>
      %ge3A_328 = arith.constant 0 : i32
      %ge3A_329 = vector.broadcast %ge3A_328 : i32 to vector<16xi32>
      %ge3A_330 = arith.cmpi sge, %sub3A_327, %ge3A_329 : vector<16xi32>
      %lt3A_331 = arith.constant 25600 : i32
      %lt3A_332 = vector.broadcast %lt3A_331 : i32 to vector<16xi32>
      %lt3A_333 = arith.cmpi slt, %sub3A_327, %lt3A_332 : vector<16xi32>
      %and3A_334 = arith.andi %ge3A_330, %lt3A_333 : vector<16xi1>
      %shift_right_arithmetic3A_335 = arith.constant 7 : i32
      %shift_right_arithmetic3A_336 = vector.broadcast %shift_right_arithmetic3A_335 : i32 to vector<16xi32>
      %shift_right_arithmetic3A_337 = arith.shrsi %sub3A_327, %shift_right_arithmetic3A_336 : vector<16xi32>
      %and3A_338 = arith.constant 127 : i32
      %and3A_339 = vector.broadcast %and3A_338 : i32 to vector<16xi32>
      %and3A_340 = arith.andi %sub3A_327, %and3A_339 : vector<16xi32>
      tpu.vector_store_idx %arg11[%shift_right_arithmetic3A_337, %and3A_340], %broadcast_in_dim3A_36 masked %and3A_334 : memref<200x128xf32, #tpu.memory_space<vmem>>[vector<16xi32>, vector<16xi32>], vector<16xf32>, vector<16xi1>
      %swap3A_341 = arith.index_cast %while3A_322 : i32 to index
      %swap3A_342 = tpu.vector_load %arg8[%swap3A_341] masked %and3A_334 {strides = array<i32>} : memref<8208xi32, #tpu.memory_space<vmem>>, vector<16xi32>, vector<16xi1>
      tpu.vector_store %arg8[%swap3A_341], %sub3A_327 masked %and3A_334 {strides = array<i32>} : memref<8208xi32, #tpu.memory_space<vmem>>, vector<16xi32>, vector<16xi1>
      %convert_element_type3A_343 = arith.extui %and3A_334 : vector<16xi1> to vector<16xi32>
      %reduce_sum3A = arith.constant true
      %reduce_sum3A_344 = vector.broadcast %reduce_sum3A : i1 to vector<16xi1>
      %reduce_sum3A_345 = tpu.scan <sum>, %convert_element_type3A_343 masked %reduce_sum3A_344 : vector<16xi32>, vector<16xi1> -> vector<16xi32>
      %reduce_sum3A_346 = vector.extract %reduce_sum3A_345[15] : i32 from vector<16xi32>
      %add3A_347 = arith.addi %while3A_322, %reduce_sum3A_346 : i32
      scf.yield %add3A_347 : i32
    }
    %while3A_199 = arith.constant 1 : i32
    %while3A_200 = scf.for %while3A_321 = %while3A_196 to %while3A_192 step %while3A_199 iter_args(%while3A_322 = %while3A_198) -> (i32)  : i32 {
      %mul3A_323 = arith.constant 16 : i32
      %mul3A_324 = arith.muli %while3A_321, %mul3A_323 : i32
      %get3A = arith.index_cast %mul3A_324 : i32 to index
      %get3A_325 = tpu.vector_load %arg5[%get3A] {strides = array<i32>} : memref<8208xi32, #tpu.memory_space<vmem>>, vector<16xi32>,
      %sub3A_326 = vector.broadcast %mul3A_188 : i32 to vector<16xi32>
      %sub3A_327 = arith.subi %get3A_325, %sub3A_326 : vector<16xi32>
      %ge3A_328 = arith.constant 0 : i32
      %ge3A_329 = vector.broadcast %ge3A_328 : i32 to vector<16xi32>
      %ge3A_330 = arith.cmpi sge, %sub3A_327, %ge3A_329 : vector<16xi32>
      %lt3A_331 = arith.constant 25600 : i32
      %lt3A_332 = vector.broadcast %lt3A_331 : i32 to vector<16xi32>
      %lt3A_333 = arith.cmpi slt, %sub3A_327, %lt3A_332 : vector<16xi32>
      %and3A_334 = arith.andi %ge3A_330, %lt3A_333 : vector<16xi1>
      %shift_right_arithmetic3A_335 = arith.constant 7 : i32
      %shift_right_arithmetic3A_336 = vector.broadcast %shift_right_arithmetic3A_335 : i32 to vector<16xi32>
      %shift_right_arithmetic3A_337 = arith.shrsi %sub3A_327, %shift_right_arithmetic3A_336 : vector<16xi32>
      %and3A_338 = arith.constant 127 : i32
      %and3A_339 = vector.broadcast %and3A_338 : i32 to vector<16xi32>
      %and3A_340 = arith.andi %sub3A_327, %and3A_339 : vector<16xi32>
      tpu.vector_store_idx %arg11[%shift_right_arithmetic3A_337, %and3A_340], %broadcast_in_dim3A_36 masked %and3A_334 : memref<200x128xf32, #tpu.memory_space<vmem>>[vector<16xi32>, vector<16xi32>], vector<16xf32>, vector<16xi1>
      %swap3A_341 = arith.index_cast %while3A_322 : i32 to index
      %swap3A_342 = tpu.vector_load %arg8[%swap3A_341] masked %and3A_334 {strides = array<i32>} : memref<8208xi32, #tpu.memory_space<vmem>>, vector<16xi32>, vector<16xi1>
      tpu.vector_store %arg8[%swap3A_341], %sub3A_327 masked %and3A_334 {strides = array<i32>} : memref<8208xi32, #tpu.memory_space<vmem>>, vector<16xi32>, vector<16xi1>
      %convert_element_type3A_343 = arith.extui %and3A_334 : vector<16xi1> to vector<16xi32>
      %reduce_sum3A = arith.constant true
      %reduce_sum3A_344 = vector.broadcast %reduce_sum3A : i1 to vector<16xi1>
      %reduce_sum3A_345 = tpu.scan <sum>, %convert_element_type3A_343 masked %reduce_sum3A_344 : vector<16xi32>, vector<16xi1> -> vector<16xi32>
      %reduce_sum3A_346 = vector.extract %reduce_sum3A_345[15] : i32 from vector<16xi32>
      %add3A_347 = arith.addi %while3A_322, %reduce_sum3A_346 : i32
      scf.yield %add3A_347 : i32
    }
    %swap3A_201 = arith.index_cast %while3A_200 : i32 to index
    %swap3A_202 = tpu.vector_load %arg8[%swap3A_201] {strides = array<i32>} : memref<8208xi32, #tpu.memory_space<vmem>>, vector<16xi32>,
    tpu.vector_store %arg8[%swap3A_201], %broadcast_in_dim3A_40 {strides = array<i32>} : memref<8208xi32, #tpu.memory_space<vmem>>, vector<16xi32>,
    %mul3A_203 = arith.constant 2 : i32
    %mul3A_204 = arith.constant 200 : i32
    %mul3A_205 = arith.muli %mul3A_203, %mul3A_204 : i32
    %add3A_206 = arith.addi %mul3A_32, %mul3A_205 : i32
    %dma_start3A_207 = tpu.memref_slice %arg3[%add3A_206, %mul3A_61] : memref<100000x1024xf32, #tpu.memory_space<hbm>> -> memref<200x128xf32, #tpu.memory_space<hbm>>
    %dma_start3A_208 = tpu.memref_slice %arg3[%add3A_206, %mul3A_61] : memref<100000x1024xf32, #tpu.memory_space<hbm>> -> memref<200x128xf32, #tpu.memory_space<hbm>>
    tpu.enqueue_dma source(%arg11 : memref<200x128xf32, #tpu.memory_space<vmem>>) target(%dma_start3A_208 : memref<200x128xf32, #tpu.memory_space<hbm>>) target_semaphore(%arg14 : memref<!tpu.dma_semaphore, #tpu.memory_space<semaphore_mem>>)
    %scan3A_209 = arith.constant 1 : i32
    %scan3A_210 = arith.constant 40 : i32
    %scan3A_211 = arith.addi %scan3A_209, %scan3A_210 : i32
    %scan3A_212 = arith.constant 1 : i32
    %scan3A_213:3 = scf.for %scan3A_321 = %scan3A_209 to %scan3A_211 step %scan3A_212 iter_args(%scan3A_322 = %while3A_94, %scan3A_323 = %while3A_147, %scan3A_324 = %while3A_200) -> (i32, i32, i32)  : i32 {
      %mul3A_325 = arith.constant 3 : i32
      %mul3A_326 = arith.muli %mul3A_325, %scan3A_321 : i32
      %add3A_327 = arith.constant 0 : i32
      %add3A_328 = arith.addi %mul3A_326, %add3A_327 : i32
      %ge3A_329 = arith.constant 3 : i32
      %ge3A_330 = arith.cmpi sge, %add3A_328, %ge3A_329 : i32
      %convert_element_type3A_331 = arith.extui %ge3A_330 : i1 to i32
      %cond3A_332 = arith.constant 0 : i32
      %cond3A_333 = arith.cmpi ne, %convert_element_type3A_331, %cond3A_332 : i32
      scf.if %cond3A_333 {
        %sub3A_457 = arith.constant 3 : i32
        %sub3A_458 = arith.subi %add3A_328, %sub3A_457 : i32
        %mul3A_459 = arith.constant 200 : i32
        %mul3A_460 = arith.muli %sub3A_458, %mul3A_459 : i32
        %add3A_461 = arith.addi %mul3A_32, %mul3A_460 : i32
        %dma_wait3A_462 = tpu.memref_slice %arg3[%add3A_461, %mul3A_61] : memref<100000x1024xf32, #tpu.memory_space<hbm>> -> memref<200x128xf32, #tpu.memory_space<hbm>>
        %dma_wait3A_463 = tpu.memref_slice %arg3[%add3A_461, %mul3A_61] : memref<100000x1024xf32, #tpu.memory_space<hbm>> -> memref<200x128xf32, #tpu.memory_space<hbm>>
        tpu.wait_dma2 semaphore(%arg12 : memref<!tpu.dma_semaphore, #tpu.memory_space<semaphore_mem>>) src(%arg9 : memref<200x128xf32, #tpu.memory_space<vmem>>) dst(%dma_wait3A_463 : memref<200x128xf32, #tpu.memory_space<hbm>>)
      } else {
      }
      %add3A_334 = arith.constant 15 : i32
      %add3A_335 = arith.addi %scan3A_322, %add3A_334 : i32
      %shift_right_arithmetic3A_336 = arith.constant 4 : i32
      %shift_right_arithmetic3A_337 = arith.shrsi %add3A_335, %shift_right_arithmetic3A_336 : i32
      %while3A_338 = arith.constant 0 : i32
      %while3A_339 = arith.constant 0 : i32
      %while3A_340 = arith.subi %shift_right_arithmetic3A_337, %while3A_339 : i32
      %while3A_341 = arith.addi %while3A_339, %while3A_340 : i32
      %while3A_342 = arith.constant 1 : i32
      %while3A_343 = arith.divsi %while3A_340, %while3A_342 : i32
      %while3A_344 = arith.muli %while3A_343, %while3A_342 : i32
      %while3A_345 = arith.addi %while3A_339, %while3A_344 : i32
      %while3A_346 = arith.constant 1 : i32
      scf.for %while3A_457 = %while3A_339 to %while3A_345 step %while3A_346  : i32 {
        %mul3A_458 = arith.constant 16 : i32
        %mul3A_459 = arith.muli %while3A_457, %mul3A_458 : i32
        %get3A = arith.index_cast %mul3A_459 : i32 to index
        %get3A_460 = tpu.vector_load %arg6[%get3A] {strides = array<i32>} : memref<8208xi32, #tpu.memory_space<vmem>>, vector<16xi32>,
        %shift_right_arithmetic3A_461 = arith.constant 7 : i32
        %shift_right_arithmetic3A_462 = vector.broadcast %shift_right_arithmetic3A_461 : i32 to vector<16xi32>
        %shift_right_arithmetic3A_463 = arith.shrsi %get3A_460, %shift_right_arithmetic3A_462 : vector<16xi32>
        %and3A_464 = arith.constant 127 : i32
        %and3A_465 = vector.broadcast %and3A_464 : i32 to vector<16xi32>
        %and3A_466 = arith.andi %get3A_460, %and3A_465 : vector<16xi32>
        %lt3A_467 = arith.constant 25600 : i32
        %lt3A_468 = vector.broadcast %lt3A_467 : i32 to vector<16xi32>
        %lt3A_469 = arith.cmpi slt, %get3A_460, %lt3A_468 : vector<16xi32>
        tpu.vector_store_idx %arg9[%shift_right_arithmetic3A_463, %and3A_466], %broadcast_in_dim3A_38 masked %lt3A_469 : memref<200x128xf32, #tpu.memory_space<vmem>>[vector<16xi32>, vector<16xi32>], vector<16xf32>, vector<16xi1>
      }
      %while3A_347 = arith.constant 1 : i32
      scf.for %while3A_457 = %while3A_345 to %while3A_341 step %while3A_347  : i32 {
        %mul3A_458 = arith.constant 16 : i32
        %mul3A_459 = arith.muli %while3A_457, %mul3A_458 : i32
        %get3A = arith.index_cast %mul3A_459 : i32 to index
        %get3A_460 = tpu.vector_load %arg6[%get3A] {strides = array<i32>} : memref<8208xi32, #tpu.memory_space<vmem>>, vector<16xi32>,
        %shift_right_arithmetic3A_461 = arith.constant 7 : i32
        %shift_right_arithmetic3A_462 = vector.broadcast %shift_right_arithmetic3A_461 : i32 to vector<16xi32>
        %shift_right_arithmetic3A_463 = arith.shrsi %get3A_460, %shift_right_arithmetic3A_462 : vector<16xi32>
        %and3A_464 = arith.constant 127 : i32
        %and3A_465 = vector.broadcast %and3A_464 : i32 to vector<16xi32>
        %and3A_466 = arith.andi %get3A_460, %and3A_465 : vector<16xi32>
        %lt3A_467 = arith.constant 25600 : i32
        %lt3A_468 = vector.broadcast %lt3A_467 : i32 to vector<16xi32>
        %lt3A_469 = arith.cmpi slt, %get3A_460, %lt3A_468 : vector<16xi32>
        tpu.vector_store_idx %arg9[%shift_right_arithmetic3A_463, %and3A_466], %broadcast_in_dim3A_38 masked %lt3A_469 : memref<200x128xf32, #tpu.memory_space<vmem>>[vector<16xi32>, vector<16xi32>], vector<16xf32>, vector<16xi1>
      }
      %mul3A_348 = arith.constant 25600 : i32
      %mul3A_349 = arith.muli %add3A_328, %mul3A_348 : i32
      %while3A_350 = arith.constant 0 : i32
      %while3A_351 = arith.constant 0 : i32
      %while3A_352 = arith.subi %shift_right_arithmetic3A_59, %while3A_350 : i32
      %while3A_353 = arith.addi %while3A_350, %while3A_352 : i32
      %while3A_354 = arith.constant 1 : i32
      %while3A_355 = arith.divsi %while3A_352, %while3A_354 : i32
      %while3A_356 = arith.muli %while3A_355, %while3A_354 : i32
      %while3A_357 = arith.addi %while3A_350, %while3A_356 : i32
      %while3A_358 = arith.constant 1 : i32
      %while3A_359 = scf.for %while3A_457 = %while3A_350 to %while3A_357 step %while3A_358 iter_args(%while3A_458 = %while3A_351) -> (i32)  : i32 {
        %mul3A_459 = arith.constant 16 : i32
        %mul3A_460 = arith.muli %while3A_457, %mul3A_459 : i32
        %get3A = arith.index_cast %mul3A_460 : i32 to index
        %get3A_461 = tpu.vector_load %arg5[%get3A] {strides = array<i32>} : memref<8208xi32, #tpu.memory_space<vmem>>, vector<16xi32>,
        %sub3A_462 = vector.broadcast %mul3A_349 : i32 to vector<16xi32>
        %sub3A_463 = arith.subi %get3A_461, %sub3A_462 : vector<16xi32>
        %ge3A_464 = arith.constant 0 : i32
        %ge3A_465 = vector.broadcast %ge3A_464 : i32 to vector<16xi32>
        %ge3A_466 = arith.cmpi sge, %sub3A_463, %ge3A_465 : vector<16xi32>
        %lt3A_467 = arith.constant 25600 : i32
        %lt3A_468 = vector.broadcast %lt3A_467 : i32 to vector<16xi32>
        %lt3A_469 = arith.cmpi slt, %sub3A_463, %lt3A_468 : vector<16xi32>
        %and3A_470 = arith.andi %ge3A_466, %lt3A_469 : vector<16xi1>
        %shift_right_arithmetic3A_471 = arith.constant 7 : i32
        %shift_right_arithmetic3A_472 = vector.broadcast %shift_right_arithmetic3A_471 : i32 to vector<16xi32>
        %shift_right_arithmetic3A_473 = arith.shrsi %sub3A_463, %shift_right_arithmetic3A_472 : vector<16xi32>
        %and3A_474 = arith.constant 127 : i32
        %and3A_475 = vector.broadcast %and3A_474 : i32 to vector<16xi32>
        %and3A_476 = arith.andi %sub3A_463, %and3A_475 : vector<16xi32>
        tpu.vector_store_idx %arg9[%shift_right_arithmetic3A_473, %and3A_476], %broadcast_in_dim3A_36 masked %and3A_470 : memref<200x128xf32, #tpu.memory_space<vmem>>[vector<16xi32>, vector<16xi32>], vector<16xf32>, vector<16xi1>
        %swap3A_477 = arith.index_cast %while3A_458 : i32 to index
        %swap3A_478 = tpu.vector_load %arg6[%swap3A_477] masked %and3A_470 {strides = array<i32>} : memref<8208xi32, #tpu.memory_space<vmem>>, vector<16xi32>, vector<16xi1>
        tpu.vector_store %arg6[%swap3A_477], %sub3A_463 masked %and3A_470 {strides = array<i32>} : memref<8208xi32, #tpu.memory_space<vmem>>, vector<16xi32>, vector<16xi1>
        %convert_element_type3A_479 = arith.extui %and3A_470 : vector<16xi1> to vector<16xi32>
        %reduce_sum3A = arith.constant true
        %reduce_sum3A_480 = vector.broadcast %reduce_sum3A : i1 to vector<16xi1>
        %reduce_sum3A_481 = tpu.scan <sum>, %convert_element_type3A_479 masked %reduce_sum3A_480 : vector<16xi32>, vector<16xi1> -> vector<16xi32>
        %reduce_sum3A_482 = vector.extract %reduce_sum3A_481[15] : i32 from vector<16xi32>
        %add3A_483 = arith.addi %while3A_458, %reduce_sum3A_482 : i32
        scf.yield %add3A_483 : i32
      }
      %while3A_360 = arith.constant 1 : i32
      %while3A_361 = scf.for %while3A_457 = %while3A_357 to %while3A_353 step %while3A_360 iter_args(%while3A_458 = %while3A_359) -> (i32)  : i32 {
        %mul3A_459 = arith.constant 16 : i32
        %mul3A_460 = arith.muli %while3A_457, %mul3A_459 : i32
        %get3A = arith.index_cast %mul3A_460 : i32 to index
        %get3A_461 = tpu.vector_load %arg5[%get3A] {strides = array<i32>} : memref<8208xi32, #tpu.memory_space<vmem>>, vector<16xi32>,
        %sub3A_462 = vector.broadcast %mul3A_349 : i32 to vector<16xi32>
        %sub3A_463 = arith.subi %get3A_461, %sub3A_462 : vector<16xi32>
        %ge3A_464 = arith.constant 0 : i32
        %ge3A_465 = vector.broadcast %ge3A_464 : i32 to vector<16xi32>
        %ge3A_466 = arith.cmpi sge, %sub3A_463, %ge3A_465 : vector<16xi32>
        %lt3A_467 = arith.constant 25600 : i32
        %lt3A_468 = vector.broadcast %lt3A_467 : i32 to vector<16xi32>
        %lt3A_469 = arith.cmpi slt, %sub3A_463, %lt3A_468 : vector<16xi32>
        %and3A_470 = arith.andi %ge3A_466, %lt3A_469 : vector<16xi1>
        %shift_right_arithmetic3A_471 = arith.constant 7 : i32
        %shift_right_arithmetic3A_472 = vector.broadcast %shift_right_arithmetic3A_471 : i32 to vector<16xi32>
        %shift_right_arithmetic3A_473 = arith.shrsi %sub3A_463, %shift_right_arithmetic3A_472 : vector<16xi32>
        %and3A_474 = arith.constant 127 : i32
        %and3A_475 = vector.broadcast %and3A_474 : i32 to vector<16xi32>
        %and3A_476 = arith.andi %sub3A_463, %and3A_475 : vector<16xi32>
        tpu.vector_store_idx %arg9[%shift_right_arithmetic3A_473, %and3A_476], %broadcast_in_dim3A_36 masked %and3A_470 : memref<200x128xf32, #tpu.memory_space<vmem>>[vector<16xi32>, vector<16xi32>], vector<16xf32>, vector<16xi1>
        %swap3A_477 = arith.index_cast %while3A_458 : i32 to index
        %swap3A_478 = tpu.vector_load %arg6[%swap3A_477] masked %and3A_470 {strides = array<i32>} : memref<8208xi32, #tpu.memory_space<vmem>>, vector<16xi32>, vector<16xi1>
        tpu.vector_store %arg6[%swap3A_477], %sub3A_463 masked %and3A_470 {strides = array<i32>} : memref<8208xi32, #tpu.memory_space<vmem>>, vector<16xi32>, vector<16xi1>
        %convert_element_type3A_479 = arith.extui %and3A_470 : vector<16xi1> to vector<16xi32>
        %reduce_sum3A = arith.constant true
        %reduce_sum3A_480 = vector.broadcast %reduce_sum3A : i1 to vector<16xi1>
        %reduce_sum3A_481 = tpu.scan <sum>, %convert_element_type3A_479 masked %reduce_sum3A_480 : vector<16xi32>, vector<16xi1> -> vector<16xi32>
        %reduce_sum3A_482 = vector.extract %reduce_sum3A_481[15] : i32 from vector<16xi32>
        %add3A_483 = arith.addi %while3A_458, %reduce_sum3A_482 : i32
        scf.yield %add3A_483 : i32
      }
      %swap3A_362 = arith.index_cast %while3A_361 : i32 to index
      %swap3A_363 = tpu.vector_load %arg6[%swap3A_362] {strides = array<i32>} : memref<8208xi32, #tpu.memory_space<vmem>>, vector<16xi32>,
      tpu.vector_store %arg6[%swap3A_362], %broadcast_in_dim3A_40 {strides = array<i32>} : memref<8208xi32, #tpu.memory_space<vmem>>, vector<16xi32>,
      %mul3A_364 = arith.constant 200 : i32
      %mul3A_365 = arith.muli %add3A_328, %mul3A_364 : i32
      %add3A_366 = arith.addi %mul3A_32, %mul3A_365 : i32
      %dma_start3A_367 = tpu.memref_slice %arg3[%add3A_366, %mul3A_61] : memref<100000x1024xf32, #tpu.memory_space<hbm>> -> memref<200x128xf32, #tpu.memory_space<hbm>>
      %dma_start3A_368 = tpu.memref_slice %arg3[%add3A_366, %mul3A_61] : memref<100000x1024xf32, #tpu.memory_space<hbm>> -> memref<200x128xf32, #tpu.memory_space<hbm>>
      tpu.enqueue_dma source(%arg9 : memref<200x128xf32, #tpu.memory_space<vmem>>) target(%dma_start3A_368 : memref<200x128xf32, #tpu.memory_space<hbm>>) target_semaphore(%arg12 : memref<!tpu.dma_semaphore, #tpu.memory_space<semaphore_mem>>)
      %mul3A_369 = arith.constant 3 : i32
      %mul3A_370 = arith.muli %mul3A_369, %scan3A_321 : i32
      %add3A_371 = arith.constant 1 : i32
      %add3A_372 = arith.addi %mul3A_370, %add3A_371 : i32
      %ge3A_373 = arith.constant 3 : i32
      %ge3A_374 = arith.cmpi sge, %add3A_372, %ge3A_373 : i32
      %convert_element_type3A_375 = arith.extui %ge3A_374 : i1 to i32
      %cond3A_376 = arith.constant 0 : i32
      %cond3A_377 = arith.cmpi ne, %convert_element_type3A_375, %cond3A_376 : i32
      scf.if %cond3A_377 {
        %sub3A_457 = arith.constant 3 : i32
        %sub3A_458 = arith.subi %add3A_372, %sub3A_457 : i32
        %mul3A_459 = arith.constant 200 : i32
        %mul3A_460 = arith.muli %sub3A_458, %mul3A_459 : i32
        %add3A_461 = arith.addi %mul3A_32, %mul3A_460 : i32
        %dma_wait3A_462 = tpu.memref_slice %arg3[%add3A_461, %mul3A_61] : memref<100000x1024xf32, #tpu.memory_space<hbm>> -> memref<200x128xf32, #tpu.memory_space<hbm>>
        %dma_wait3A_463 = tpu.memref_slice %arg3[%add3A_461, %mul3A_61] : memref<100000x1024xf32, #tpu.memory_space<hbm>> -> memref<200x128xf32, #tpu.memory_space<hbm>>
        tpu.wait_dma2 semaphore(%arg13 : memref<!tpu.dma_semaphore, #tpu.memory_space<semaphore_mem>>) src(%arg10 : memref<200x128xf32, #tpu.memory_space<vmem>>) dst(%dma_wait3A_463 : memref<200x128xf32, #tpu.memory_space<hbm>>)
      } else {
      }
      %add3A_378 = arith.constant 15 : i32
      %add3A_379 = arith.addi %scan3A_323, %add3A_378 : i32
      %shift_right_arithmetic3A_380 = arith.constant 4 : i32
      %shift_right_arithmetic3A_381 = arith.shrsi %add3A_379, %shift_right_arithmetic3A_380 : i32
      %while3A_382 = arith.constant 0 : i32
      %while3A_383 = arith.constant 0 : i32
      %while3A_384 = arith.subi %shift_right_arithmetic3A_381, %while3A_383 : i32
      %while3A_385 = arith.addi %while3A_383, %while3A_384 : i32
      %while3A_386 = arith.constant 1 : i32
      %while3A_387 = arith.divsi %while3A_384, %while3A_386 : i32
      %while3A_388 = arith.muli %while3A_387, %while3A_386 : i32
      %while3A_389 = arith.addi %while3A_383, %while3A_388 : i32
      %while3A_390 = arith.constant 1 : i32
      scf.for %while3A_457 = %while3A_383 to %while3A_389 step %while3A_390  : i32 {
        %mul3A_458 = arith.constant 16 : i32
        %mul3A_459 = arith.muli %while3A_457, %mul3A_458 : i32
        %get3A = arith.index_cast %mul3A_459 : i32 to index
        %get3A_460 = tpu.vector_load %arg7[%get3A] {strides = array<i32>} : memref<8208xi32, #tpu.memory_space<vmem>>, vector<16xi32>,
        %shift_right_arithmetic3A_461 = arith.constant 7 : i32
        %shift_right_arithmetic3A_462 = vector.broadcast %shift_right_arithmetic3A_461 : i32 to vector<16xi32>
        %shift_right_arithmetic3A_463 = arith.shrsi %get3A_460, %shift_right_arithmetic3A_462 : vector<16xi32>
        %and3A_464 = arith.constant 127 : i32
        %and3A_465 = vector.broadcast %and3A_464 : i32 to vector<16xi32>
        %and3A_466 = arith.andi %get3A_460, %and3A_465 : vector<16xi32>
        %lt3A_467 = arith.constant 25600 : i32
        %lt3A_468 = vector.broadcast %lt3A_467 : i32 to vector<16xi32>
        %lt3A_469 = arith.cmpi slt, %get3A_460, %lt3A_468 : vector<16xi32>
        tpu.vector_store_idx %arg10[%shift_right_arithmetic3A_463, %and3A_466], %broadcast_in_dim3A_38 masked %lt3A_469 : memref<200x128xf32, #tpu.memory_space<vmem>>[vector<16xi32>, vector<16xi32>], vector<16xf32>, vector<16xi1>
      }
      %while3A_391 = arith.constant 1 : i32
      scf.for %while3A_457 = %while3A_389 to %while3A_385 step %while3A_391  : i32 {
        %mul3A_458 = arith.constant 16 : i32
        %mul3A_459 = arith.muli %while3A_457, %mul3A_458 : i32
        %get3A = arith.index_cast %mul3A_459 : i32 to index
        %get3A_460 = tpu.vector_load %arg7[%get3A] {strides = array<i32>} : memref<8208xi32, #tpu.memory_space<vmem>>, vector<16xi32>,
        %shift_right_arithmetic3A_461 = arith.constant 7 : i32
        %shift_right_arithmetic3A_462 = vector.broadcast %shift_right_arithmetic3A_461 : i32 to vector<16xi32>
        %shift_right_arithmetic3A_463 = arith.shrsi %get3A_460, %shift_right_arithmetic3A_462 : vector<16xi32>
        %and3A_464 = arith.constant 127 : i32
        %and3A_465 = vector.broadcast %and3A_464 : i32 to vector<16xi32>
        %and3A_466 = arith.andi %get3A_460, %and3A_465 : vector<16xi32>
        %lt3A_467 = arith.constant 25600 : i32
        %lt3A_468 = vector.broadcast %lt3A_467 : i32 to vector<16xi32>
        %lt3A_469 = arith.cmpi slt, %get3A_460, %lt3A_468 : vector<16xi32>
        tpu.vector_store_idx %arg10[%shift_right_arithmetic3A_463, %and3A_466], %broadcast_in_dim3A_38 masked %lt3A_469 : memref<200x128xf32, #tpu.memory_space<vmem>>[vector<16xi32>, vector<16xi32>], vector<16xf32>, vector<16xi1>
      }
      %mul3A_392 = arith.constant 25600 : i32
      %mul3A_393 = arith.muli %add3A_372, %mul3A_392 : i32
      %while3A_394 = arith.constant 0 : i32
      %while3A_395 = arith.constant 0 : i32
      %while3A_396 = arith.subi %shift_right_arithmetic3A_59, %while3A_394 : i32
      %while3A_397 = arith.addi %while3A_394, %while3A_396 : i32
      %while3A_398 = arith.constant 1 : i32
      %while3A_399 = arith.divsi %while3A_396, %while3A_398 : i32
      %while3A_400 = arith.muli %while3A_399, %while3A_398 : i32
      %while3A_401 = arith.addi %while3A_394, %while3A_400 : i32
      %while3A_402 = arith.constant 1 : i32
      %while3A_403 = scf.for %while3A_457 = %while3A_394 to %while3A_401 step %while3A_402 iter_args(%while3A_458 = %while3A_395) -> (i32)  : i32 {
        %mul3A_459 = arith.constant 16 : i32
        %mul3A_460 = arith.muli %while3A_457, %mul3A_459 : i32
        %get3A = arith.index_cast %mul3A_460 : i32 to index
        %get3A_461 = tpu.vector_load %arg5[%get3A] {strides = array<i32>} : memref<8208xi32, #tpu.memory_space<vmem>>, vector<16xi32>,
        %sub3A_462 = vector.broadcast %mul3A_393 : i32 to vector<16xi32>
        %sub3A_463 = arith.subi %get3A_461, %sub3A_462 : vector<16xi32>
        %ge3A_464 = arith.constant 0 : i32
        %ge3A_465 = vector.broadcast %ge3A_464 : i32 to vector<16xi32>
        %ge3A_466 = arith.cmpi sge, %sub3A_463, %ge3A_465 : vector<16xi32>
        %lt3A_467 = arith.constant 25600 : i32
        %lt3A_468 = vector.broadcast %lt3A_467 : i32 to vector<16xi32>
        %lt3A_469 = arith.cmpi slt, %sub3A_463, %lt3A_468 : vector<16xi32>
        %and3A_470 = arith.andi %ge3A_466, %lt3A_469 : vector<16xi1>
        %shift_right_arithmetic3A_471 = arith.constant 7 : i32
        %shift_right_arithmetic3A_472 = vector.broadcast %shift_right_arithmetic3A_471 : i32 to vector<16xi32>
        %shift_right_arithmetic3A_473 = arith.shrsi %sub3A_463, %shift_right_arithmetic3A_472 : vector<16xi32>
        %and3A_474 = arith.constant 127 : i32
        %and3A_475 = vector.broadcast %and3A_474 : i32 to vector<16xi32>
        %and3A_476 = arith.andi %sub3A_463, %and3A_475 : vector<16xi32>
        tpu.vector_store_idx %arg10[%shift_right_arithmetic3A_473, %and3A_476], %broadcast_in_dim3A_36 masked %and3A_470 : memref<200x128xf32, #tpu.memory_space<vmem>>[vector<16xi32>, vector<16xi32>], vector<16xf32>, vector<16xi1>
        %swap3A_477 = arith.index_cast %while3A_458 : i32 to index
        %swap3A_478 = tpu.vector_load %arg7[%swap3A_477] masked %and3A_470 {strides = array<i32>} : memref<8208xi32, #tpu.memory_space<vmem>>, vector<16xi32>, vector<16xi1>
        tpu.vector_store %arg7[%swap3A_477], %sub3A_463 masked %and3A_470 {strides = array<i32>} : memref<8208xi32, #tpu.memory_space<vmem>>, vector<16xi32>, vector<16xi1>
        %convert_element_type3A_479 = arith.extui %and3A_470 : vector<16xi1> to vector<16xi32>
        %reduce_sum3A = arith.constant true
        %reduce_sum3A_480 = vector.broadcast %reduce_sum3A : i1 to vector<16xi1>
        %reduce_sum3A_481 = tpu.scan <sum>, %convert_element_type3A_479 masked %reduce_sum3A_480 : vector<16xi32>, vector<16xi1> -> vector<16xi32>
        %reduce_sum3A_482 = vector.extract %reduce_sum3A_481[15] : i32 from vector<16xi32>
        %add3A_483 = arith.addi %while3A_458, %reduce_sum3A_482 : i32
        scf.yield %add3A_483 : i32
      }
      %while3A_404 = arith.constant 1 : i32
      %while3A_405 = scf.for %while3A_457 = %while3A_401 to %while3A_397 step %while3A_404 iter_args(%while3A_458 = %while3A_403) -> (i32)  : i32 {
        %mul3A_459 = arith.constant 16 : i32
        %mul3A_460 = arith.muli %while3A_457, %mul3A_459 : i32
        %get3A = arith.index_cast %mul3A_460 : i32 to index
        %get3A_461 = tpu.vector_load %arg5[%get3A] {strides = array<i32>} : memref<8208xi32, #tpu.memory_space<vmem>>, vector<16xi32>,
        %sub3A_462 = vector.broadcast %mul3A_393 : i32 to vector<16xi32>
        %sub3A_463 = arith.subi %get3A_461, %sub3A_462 : vector<16xi32>
        %ge3A_464 = arith.constant 0 : i32
        %ge3A_465 = vector.broadcast %ge3A_464 : i32 to vector<16xi32>
        %ge3A_466 = arith.cmpi sge, %sub3A_463, %ge3A_465 : vector<16xi32>
        %lt3A_467 = arith.constant 25600 : i32
        %lt3A_468 = vector.broadcast %lt3A_467 : i32 to vector<16xi32>
        %lt3A_469 = arith.cmpi slt, %sub3A_463, %lt3A_468 : vector<16xi32>
        %and3A_470 = arith.andi %ge3A_466, %lt3A_469 : vector<16xi1>
        %shift_right_arithmetic3A_471 = arith.constant 7 : i32
        %shift_right_arithmetic3A_472 = vector.broadcast %shift_right_arithmetic3A_471 : i32 to vector<16xi32>
        %shift_right_arithmetic3A_473 = arith.shrsi %sub3A_463, %shift_right_arithmetic3A_472 : vector<16xi32>
        %and3A_474 = arith.constant 127 : i32
        %and3A_475 = vector.broadcast %and3A_474 : i32 to vector<16xi32>
        %and3A_476 = arith.andi %sub3A_463, %and3A_475 : vector<16xi32>
        tpu.vector_store_idx %arg10[%shift_right_arithmetic3A_473, %and3A_476], %broadcast_in_dim3A_36 masked %and3A_470 : memref<200x128xf32, #tpu.memory_space<vmem>>[vector<16xi32>, vector<16xi32>], vector<16xf32>, vector<16xi1>
        %swap3A_477 = arith.index_cast %while3A_458 : i32 to index
        %swap3A_478 = tpu.vector_load %arg7[%swap3A_477] masked %and3A_470 {strides = array<i32>} : memref<8208xi32, #tpu.memory_space<vmem>>, vector<16xi32>, vector<16xi1>
        tpu.vector_store %arg7[%swap3A_477], %sub3A_463 masked %and3A_470 {strides = array<i32>} : memref<8208xi32, #tpu.memory_space<vmem>>, vector<16xi32>, vector<16xi1>
        %convert_element_type3A_479 = arith.extui %and3A_470 : vector<16xi1> to vector<16xi32>
        %reduce_sum3A = arith.constant true
        %reduce_sum3A_480 = vector.broadcast %reduce_sum3A : i1 to vector<16xi1>
        %reduce_sum3A_481 = tpu.scan <sum>, %convert_element_type3A_479 masked %reduce_sum3A_480 : vector<16xi32>, vector<16xi1> -> vector<16xi32>
        %reduce_sum3A_482 = vector.extract %reduce_sum3A_481[15] : i32 from vector<16xi32>
        %add3A_483 = arith.addi %while3A_458, %reduce_sum3A_482 : i32
        scf.yield %add3A_483 : i32
      }
      %swap3A_406 = arith.index_cast %while3A_405 : i32 to index
      %swap3A_407 = tpu.vector_load %arg7[%swap3A_406] {strides = array<i32>} : memref<8208xi32, #tpu.memory_space<vmem>>, vector<16xi32>,
      tpu.vector_store %arg7[%swap3A_406], %broadcast_in_dim3A_40 {strides = array<i32>} : memref<8208xi32, #tpu.memory_space<vmem>>, vector<16xi32>,
      %mul3A_408 = arith.constant 200 : i32
      %mul3A_409 = arith.muli %add3A_372, %mul3A_408 : i32
      %add3A_410 = arith.addi %mul3A_32, %mul3A_409 : i32
      %dma_start3A_411 = tpu.memref_slice %arg3[%add3A_410, %mul3A_61] : memref<100000x1024xf32, #tpu.memory_space<hbm>> -> memref<200x128xf32, #tpu.memory_space<hbm>>
      %dma_start3A_412 = tpu.memref_slice %arg3[%add3A_410, %mul3A_61] : memref<100000x1024xf32, #tpu.memory_space<hbm>> -> memref<200x128xf32, #tpu.memory_space<hbm>>
      tpu.enqueue_dma source(%arg10 : memref<200x128xf32, #tpu.memory_space<vmem>>) target(%dma_start3A_412 : memref<200x128xf32, #tpu.memory_space<hbm>>) target_semaphore(%arg13 : memref<!tpu.dma_semaphore, #tpu.memory_space<semaphore_mem>>)
      %mul3A_413 = arith.constant 3 : i32
      %mul3A_414 = arith.muli %mul3A_413, %scan3A_321 : i32
      %add3A_415 = arith.constant 2 : i32
      %add3A_416 = arith.addi %mul3A_414, %add3A_415 : i32
      %ge3A_417 = arith.constant 3 : i32
      %ge3A_418 = arith.cmpi sge, %add3A_416, %ge3A_417 : i32
      %convert_element_type3A_419 = arith.extui %ge3A_418 : i1 to i32
      %cond3A_420 = arith.constant 0 : i32
      %cond3A_421 = arith.cmpi ne, %convert_element_type3A_419, %cond3A_420 : i32
      scf.if %cond3A_421 {
        %sub3A_457 = arith.constant 3 : i32
        %sub3A_458 = arith.subi %add3A_416, %sub3A_457 : i32
        %mul3A_459 = arith.constant 200 : i32
        %mul3A_460 = arith.muli %sub3A_458, %mul3A_459 : i32
        %add3A_461 = arith.addi %mul3A_32, %mul3A_460 : i32
        %dma_wait3A_462 = tpu.memref_slice %arg3[%add3A_461, %mul3A_61] : memref<100000x1024xf32, #tpu.memory_space<hbm>> -> memref<200x128xf32, #tpu.memory_space<hbm>>
        %dma_wait3A_463 = tpu.memref_slice %arg3[%add3A_461, %mul3A_61] : memref<100000x1024xf32, #tpu.memory_space<hbm>> -> memref<200x128xf32, #tpu.memory_space<hbm>>
        tpu.wait_dma2 semaphore(%arg14 : memref<!tpu.dma_semaphore, #tpu.memory_space<semaphore_mem>>) src(%arg11 : memref<200x128xf32, #tpu.memory_space<vmem>>) dst(%dma_wait3A_463 : memref<200x128xf32, #tpu.memory_space<hbm>>)
      } else {
      }
      %add3A_422 = arith.constant 15 : i32
      %add3A_423 = arith.addi %scan3A_324, %add3A_422 : i32
      %shift_right_arithmetic3A_424 = arith.constant 4 : i32
      %shift_right_arithmetic3A_425 = arith.shrsi %add3A_423, %shift_right_arithmetic3A_424 : i32
      %while3A_426 = arith.constant 0 : i32
      %while3A_427 = arith.constant 0 : i32
      %while3A_428 = arith.subi %shift_right_arithmetic3A_425, %while3A_427 : i32
      %while3A_429 = arith.addi %while3A_427, %while3A_428 : i32
      %while3A_430 = arith.constant 1 : i32
      %while3A_431 = arith.divsi %while3A_428, %while3A_430 : i32
      %while3A_432 = arith.muli %while3A_431, %while3A_430 : i32
      %while3A_433 = arith.addi %while3A_427, %while3A_432 : i32
      %while3A_434 = arith.constant 1 : i32
      scf.for %while3A_457 = %while3A_427 to %while3A_433 step %while3A_434  : i32 {
        %mul3A_458 = arith.constant 16 : i32
        %mul3A_459 = arith.muli %while3A_457, %mul3A_458 : i32
        %get3A = arith.index_cast %mul3A_459 : i32 to index
        %get3A_460 = tpu.vector_load %arg8[%get3A] {strides = array<i32>} : memref<8208xi32, #tpu.memory_space<vmem>>, vector<16xi32>,
        %shift_right_arithmetic3A_461 = arith.constant 7 : i32
        %shift_right_arithmetic3A_462 = vector.broadcast %shift_right_arithmetic3A_461 : i32 to vector<16xi32>
        %shift_right_arithmetic3A_463 = arith.shrsi %get3A_460, %shift_right_arithmetic3A_462 : vector<16xi32>
        %and3A_464 = arith.constant 127 : i32
        %and3A_465 = vector.broadcast %and3A_464 : i32 to vector<16xi32>
        %and3A_466 = arith.andi %get3A_460, %and3A_465 : vector<16xi32>
        %lt3A_467 = arith.constant 25600 : i32
        %lt3A_468 = vector.broadcast %lt3A_467 : i32 to vector<16xi32>
        %lt3A_469 = arith.cmpi slt, %get3A_460, %lt3A_468 : vector<16xi32>
        tpu.vector_store_idx %arg11[%shift_right_arithmetic3A_463, %and3A_466], %broadcast_in_dim3A_38 masked %lt3A_469 : memref<200x128xf32, #tpu.memory_space<vmem>>[vector<16xi32>, vector<16xi32>], vector<16xf32>, vector<16xi1>
      }
      %while3A_435 = arith.constant 1 : i32
      scf.for %while3A_457 = %while3A_433 to %while3A_429 step %while3A_435  : i32 {
        %mul3A_458 = arith.constant 16 : i32
        %mul3A_459 = arith.muli %while3A_457, %mul3A_458 : i32
        %get3A = arith.index_cast %mul3A_459 : i32 to index
        %get3A_460 = tpu.vector_load %arg8[%get3A] {strides = array<i32>} : memref<8208xi32, #tpu.memory_space<vmem>>, vector<16xi32>,
        %shift_right_arithmetic3A_461 = arith.constant 7 : i32
        %shift_right_arithmetic3A_462 = vector.broadcast %shift_right_arithmetic3A_461 : i32 to vector<16xi32>
        %shift_right_arithmetic3A_463 = arith.shrsi %get3A_460, %shift_right_arithmetic3A_462 : vector<16xi32>
        %and3A_464 = arith.constant 127 : i32
        %and3A_465 = vector.broadcast %and3A_464 : i32 to vector<16xi32>
        %and3A_466 = arith.andi %get3A_460, %and3A_465 : vector<16xi32>
        %lt3A_467 = arith.constant 25600 : i32
        %lt3A_468 = vector.broadcast %lt3A_467 : i32 to vector<16xi32>
        %lt3A_469 = arith.cmpi slt, %get3A_460, %lt3A_468 : vector<16xi32>
        tpu.vector_store_idx %arg11[%shift_right_arithmetic3A_463, %and3A_466], %broadcast_in_dim3A_38 masked %lt3A_469 : memref<200x128xf32, #tpu.memory_space<vmem>>[vector<16xi32>, vector<16xi32>], vector<16xf32>, vector<16xi1>
      }
      %mul3A_436 = arith.constant 25600 : i32
      %mul3A_437 = arith.muli %add3A_416, %mul3A_436 : i32
      %while3A_438 = arith.constant 0 : i32
      %while3A_439 = arith.constant 0 : i32
      %while3A_440 = arith.subi %shift_right_arithmetic3A_59, %while3A_438 : i32
      %while3A_441 = arith.addi %while3A_438, %while3A_440 : i32
      %while3A_442 = arith.constant 1 : i32
      %while3A_443 = arith.divsi %while3A_440, %while3A_442 : i32
      %while3A_444 = arith.muli %while3A_443, %while3A_442 : i32
      %while3A_445 = arith.addi %while3A_438, %while3A_444 : i32
      %while3A_446 = arith.constant 1 : i32
      %while3A_447 = scf.for %while3A_457 = %while3A_438 to %while3A_445 step %while3A_446 iter_args(%while3A_458 = %while3A_439) -> (i32)  : i32 {
        %mul3A_459 = arith.constant 16 : i32
        %mul3A_460 = arith.muli %while3A_457, %mul3A_459 : i32
        %get3A = arith.index_cast %mul3A_460 : i32 to index
        %get3A_461 = tpu.vector_load %arg5[%get3A] {strides = array<i32>} : memref<8208xi32, #tpu.memory_space<vmem>>, vector<16xi32>,
        %sub3A_462 = vector.broadcast %mul3A_437 : i32 to vector<16xi32>
        %sub3A_463 = arith.subi %get3A_461, %sub3A_462 : vector<16xi32>
        %ge3A_464 = arith.constant 0 : i32
        %ge3A_465 = vector.broadcast %ge3A_464 : i32 to vector<16xi32>
        %ge3A_466 = arith.cmpi sge, %sub3A_463, %ge3A_465 : vector<16xi32>
        %lt3A_467 = arith.constant 25600 : i32
        %lt3A_468 = vector.broadcast %lt3A_467 : i32 to vector<16xi32>
        %lt3A_469 = arith.cmpi slt, %sub3A_463, %lt3A_468 : vector<16xi32>
        %and3A_470 = arith.andi %ge3A_466, %lt3A_469 : vector<16xi1>
        %shift_right_arithmetic3A_471 = arith.constant 7 : i32
        %shift_right_arithmetic3A_472 = vector.broadcast %shift_right_arithmetic3A_471 : i32 to vector<16xi32>
        %shift_right_arithmetic3A_473 = arith.shrsi %sub3A_463, %shift_right_arithmetic3A_472 : vector<16xi32>
        %and3A_474 = arith.constant 127 : i32
        %and3A_475 = vector.broadcast %and3A_474 : i32 to vector<16xi32>
        %and3A_476 = arith.andi %sub3A_463, %and3A_475 : vector<16xi32>
        tpu.vector_store_idx %arg11[%shift_right_arithmetic3A_473, %and3A_476], %broadcast_in_dim3A_36 masked %and3A_470 : memref<200x128xf32, #tpu.memory_space<vmem>>[vector<16xi32>, vector<16xi32>], vector<16xf32>, vector<16xi1>
        %swap3A_477 = arith.index_cast %while3A_458 : i32 to index
        %swap3A_478 = tpu.vector_load %arg8[%swap3A_477] masked %and3A_470 {strides = array<i32>} : memref<8208xi32, #tpu.memory_space<vmem>>, vector<16xi32>, vector<16xi1>
        tpu.vector_store %arg8[%swap3A_477], %sub3A_463 masked %and3A_470 {strides = array<i32>} : memref<8208xi32, #tpu.memory_space<vmem>>, vector<16xi32>, vector<16xi1>
        %convert_element_type3A_479 = arith.extui %and3A_470 : vector<16xi1> to vector<16xi32>
        %reduce_sum3A = arith.constant true
        %reduce_sum3A_480 = vector.broadcast %reduce_sum3A : i1 to vector<16xi1>
        %reduce_sum3A_481 = tpu.scan <sum>, %convert_element_type3A_479 masked %reduce_sum3A_480 : vector<16xi32>, vector<16xi1> -> vector<16xi32>
        %reduce_sum3A_482 = vector.extract %reduce_sum3A_481[15] : i32 from vector<16xi32>
        %add3A_483 = arith.addi %while3A_458, %reduce_sum3A_482 : i32
        scf.yield %add3A_483 : i32
      }
      %while3A_448 = arith.constant 1 : i32
      %while3A_449 = scf.for %while3A_457 = %while3A_445 to %while3A_441 step %while3A_448 iter_args(%while3A_458 = %while3A_447) -> (i32)  : i32 {
        %mul3A_459 = arith.constant 16 : i32
        %mul3A_460 = arith.muli %while3A_457, %mul3A_459 : i32
        %get3A = arith.index_cast %mul3A_460 : i32 to index
        %get3A_461 = tpu.vector_load %arg5[%get3A] {strides = array<i32>} : memref<8208xi32, #tpu.memory_space<vmem>>, vector<16xi32>,
        %sub3A_462 = vector.broadcast %mul3A_437 : i32 to vector<16xi32>
        %sub3A_463 = arith.subi %get3A_461, %sub3A_462 : vector<16xi32>
        %ge3A_464 = arith.constant 0 : i32
        %ge3A_465 = vector.broadcast %ge3A_464 : i32 to vector<16xi32>
        %ge3A_466 = arith.cmpi sge, %sub3A_463, %ge3A_465 : vector<16xi32>
        %lt3A_467 = arith.constant 25600 : i32
        %lt3A_468 = vector.broadcast %lt3A_467 : i32 to vector<16xi32>
        %lt3A_469 = arith.cmpi slt, %sub3A_463, %lt3A_468 : vector<16xi32>
        %and3A_470 = arith.andi %ge3A_466, %lt3A_469 : vector<16xi1>
        %shift_right_arithmetic3A_471 = arith.constant 7 : i32
        %shift_right_arithmetic3A_472 = vector.broadcast %shift_right_arithmetic3A_471 : i32 to vector<16xi32>
        %shift_right_arithmetic3A_473 = arith.shrsi %sub3A_463, %shift_right_arithmetic3A_472 : vector<16xi32>
        %and3A_474 = arith.constant 127 : i32
        %and3A_475 = vector.broadcast %and3A_474 : i32 to vector<16xi32>
        %and3A_476 = arith.andi %sub3A_463, %and3A_475 : vector<16xi32>
        tpu.vector_store_idx %arg11[%shift_right_arithmetic3A_473, %and3A_476], %broadcast_in_dim3A_36 masked %and3A_470 : memref<200x128xf32, #tpu.memory_space<vmem>>[vector<16xi32>, vector<16xi32>], vector<16xf32>, vector<16xi1>
        %swap3A_477 = arith.index_cast %while3A_458 : i32 to index
        %swap3A_478 = tpu.vector_load %arg8[%swap3A_477] masked %and3A_470 {strides = array<i32>} : memref<8208xi32, #tpu.memory_space<vmem>>, vector<16xi32>, vector<16xi1>
        tpu.vector_store %arg8[%swap3A_477], %sub3A_463 masked %and3A_470 {strides = array<i32>} : memref<8208xi32, #tpu.memory_space<vmem>>, vector<16xi32>, vector<16xi1>
        %convert_element_type3A_479 = arith.extui %and3A_470 : vector<16xi1> to vector<16xi32>
        %reduce_sum3A = arith.constant true
        %reduce_sum3A_480 = vector.broadcast %reduce_sum3A : i1 to vector<16xi1>
        %reduce_sum3A_481 = tpu.scan <sum>, %convert_element_type3A_479 masked %reduce_sum3A_480 : vector<16xi32>, vector<16xi1> -> vector<16xi32>
        %reduce_sum3A_482 = vector.extract %reduce_sum3A_481[15] : i32 from vector<16xi32>
        %add3A_483 = arith.addi %while3A_458, %reduce_sum3A_482 : i32
        scf.yield %add3A_483 : i32
      }
      %swap3A_450 = arith.index_cast %while3A_449 : i32 to index
      %swap3A_451 = tpu.vector_load %arg8[%swap3A_450] {strides = array<i32>} : memref<8208xi32, #tpu.memory_space<vmem>>, vector<16xi32>,
      tpu.vector_store %arg8[%swap3A_450], %broadcast_in_dim3A_40 {strides = array<i32>} : memref<8208xi32, #tpu.memory_space<vmem>>, vector<16xi32>,
      %mul3A_452 = arith.constant 200 : i32
      %mul3A_453 = arith.muli %add3A_416, %mul3A_452 : i32
      %add3A_454 = arith.addi %mul3A_32, %mul3A_453 : i32
      %dma_start3A_455 = tpu.memref_slice %arg3[%add3A_454, %mul3A_61] : memref<100000x1024xf32, #tpu.memory_space<hbm>> -> memref<200x128xf32, #tpu.memory_space<hbm>>
      %dma_start3A_456 = tpu.memref_slice %arg3[%add3A_454, %mul3A_61] : memref<100000x1024xf32, #tpu.memory_space<hbm>> -> memref<200x128xf32, #tpu.memory_space<hbm>>
      tpu.enqueue_dma source(%arg11 : memref<200x128xf32, #tpu.memory_space<vmem>>) target(%dma_start3A_456 : memref<200x128xf32, #tpu.memory_space<hbm>>) target_semaphore(%arg14 : memref<!tpu.dma_semaphore, #tpu.memory_space<semaphore_mem>>)
      scf.yield %while3A_361, %while3A_405, %while3A_449 : i32, i32, i32
    }
    %scan3A_214 = arith.constant 40 : i32
    %ge3A_215 = arith.constant 123 : i32
    %ge3A_216 = arith.constant 3 : i32
    %ge3A_217 = arith.cmpi sge, %ge3A_215, %ge3A_216 : i32
    %convert_element_type3A_218 = arith.extui %ge3A_217 : i1 to i32
    %cond3A_219 = arith.constant 123 : i32
    %cond3A_220 = arith.constant 0 : i32
    %cond3A_221 = arith.cmpi ne, %convert_element_type3A_218, %cond3A_220 : i32
    scf.if %cond3A_221 {
      %sub3A_321 = arith.constant 3 : i32
      %sub3A_322 = arith.subi %cond3A_219, %sub3A_321 : i32
      %mul3A_323 = arith.constant 200 : i32
      %mul3A_324 = arith.muli %sub3A_322, %mul3A_323 : i32
      %add3A_325 = arith.addi %mul3A_32, %mul3A_324 : i32
      %dma_wait3A_326 = tpu.memref_slice %arg3[%add3A_325, %mul3A_61] : memref<100000x1024xf32, #tpu.memory_space<hbm>> -> memref<200x128xf32, #tpu.memory_space<hbm>>
      %dma_wait3A_327 = tpu.memref_slice %arg3[%add3A_325, %mul3A_61] : memref<100000x1024xf32, #tpu.memory_space<hbm>> -> memref<200x128xf32, #tpu.memory_space<hbm>>
      tpu.wait_dma2 semaphore(%arg12 : memref<!tpu.dma_semaphore, #tpu.memory_space<semaphore_mem>>) src(%arg9 : memref<200x128xf32, #tpu.memory_space<vmem>>) dst(%dma_wait3A_327 : memref<200x128xf32, #tpu.memory_space<hbm>>)
    } else {
    }
    %add3A_222 = arith.constant 15 : i32
    %add3A_223 = arith.addi %scan3A_213#0, %add3A_222 : i32
    %shift_right_arithmetic3A_224 = arith.constant 4 : i32
    %shift_right_arithmetic3A_225 = arith.shrsi %add3A_223, %shift_right_arithmetic3A_224 : i32
    %while3A_226 = arith.constant 0 : i32
    %while3A_227 = arith.constant 0 : i32
    %while3A_228 = arith.subi %shift_right_arithmetic3A_225, %while3A_227 : i32
    %while3A_229 = arith.addi %while3A_227, %while3A_228 : i32
    %while3A_230 = arith.constant 1 : i32
    %while3A_231 = arith.divsi %while3A_228, %while3A_230 : i32
    %while3A_232 = arith.muli %while3A_231, %while3A_230 : i32
    %while3A_233 = arith.addi %while3A_227, %while3A_232 : i32
    %while3A_234 = arith.constant 1 : i32
    scf.for %while3A_321 = %while3A_227 to %while3A_233 step %while3A_234  : i32 {
      %mul3A_322 = arith.constant 16 : i32
      %mul3A_323 = arith.muli %while3A_321, %mul3A_322 : i32
      %get3A = arith.index_cast %mul3A_323 : i32 to index
      %get3A_324 = tpu.vector_load %arg6[%get3A] {strides = array<i32>} : memref<8208xi32, #tpu.memory_space<vmem>>, vector<16xi32>,
      %shift_right_arithmetic3A_325 = arith.constant 7 : i32
      %shift_right_arithmetic3A_326 = vector.broadcast %shift_right_arithmetic3A_325 : i32 to vector<16xi32>
      %shift_right_arithmetic3A_327 = arith.shrsi %get3A_324, %shift_right_arithmetic3A_326 : vector<16xi32>
      %and3A_328 = arith.constant 127 : i32
      %and3A_329 = vector.broadcast %and3A_328 : i32 to vector<16xi32>
      %and3A_330 = arith.andi %get3A_324, %and3A_329 : vector<16xi32>
      %lt3A_331 = arith.constant 25600 : i32
      %lt3A_332 = vector.broadcast %lt3A_331 : i32 to vector<16xi32>
      %lt3A_333 = arith.cmpi slt, %get3A_324, %lt3A_332 : vector<16xi32>
      tpu.vector_store_idx %arg9[%shift_right_arithmetic3A_327, %and3A_330], %broadcast_in_dim3A_38 masked %lt3A_333 : memref<200x128xf32, #tpu.memory_space<vmem>>[vector<16xi32>, vector<16xi32>], vector<16xf32>, vector<16xi1>
    }
    %while3A_235 = arith.constant 1 : i32
    scf.for %while3A_321 = %while3A_233 to %while3A_229 step %while3A_235  : i32 {
      %mul3A_322 = arith.constant 16 : i32
      %mul3A_323 = arith.muli %while3A_321, %mul3A_322 : i32
      %get3A = arith.index_cast %mul3A_323 : i32 to index
      %get3A_324 = tpu.vector_load %arg6[%get3A] {strides = array<i32>} : memref<8208xi32, #tpu.memory_space<vmem>>, vector<16xi32>,
      %shift_right_arithmetic3A_325 = arith.constant 7 : i32
      %shift_right_arithmetic3A_326 = vector.broadcast %shift_right_arithmetic3A_325 : i32 to vector<16xi32>
      %shift_right_arithmetic3A_327 = arith.shrsi %get3A_324, %shift_right_arithmetic3A_326 : vector<16xi32>
      %and3A_328 = arith.constant 127 : i32
      %and3A_329 = vector.broadcast %and3A_328 : i32 to vector<16xi32>
      %and3A_330 = arith.andi %get3A_324, %and3A_329 : vector<16xi32>
      %lt3A_331 = arith.constant 25600 : i32
      %lt3A_332 = vector.broadcast %lt3A_331 : i32 to vector<16xi32>
      %lt3A_333 = arith.cmpi slt, %get3A_324, %lt3A_332 : vector<16xi32>
      tpu.vector_store_idx %arg9[%shift_right_arithmetic3A_327, %and3A_330], %broadcast_in_dim3A_38 masked %lt3A_333 : memref<200x128xf32, #tpu.memory_space<vmem>>[vector<16xi32>, vector<16xi32>], vector<16xf32>, vector<16xi1>
    }
    %mul3A_236 = arith.constant 123 : i32
    %mul3A_237 = arith.constant 25600 : i32
    %mul3A_238 = arith.muli %mul3A_236, %mul3A_237 : i32
    %while3A_239 = arith.constant 0 : i32
    %while3A_240 = arith.constant 0 : i32
    %while3A_241 = arith.subi %shift_right_arithmetic3A_59, %while3A_239 : i32
    %while3A_242 = arith.addi %while3A_239, %while3A_241 : i32
    %while3A_243 = arith.constant 1 : i32
    %while3A_244 = arith.divsi %while3A_241, %while3A_243 : i32
    %while3A_245 = arith.muli %while3A_244, %while3A_243 : i32
    %while3A_246 = arith.addi %while3A_239, %while3A_245 : i32
    %while3A_247 = arith.constant 1 : i32
    %while3A_248 = scf.for %while3A_321 = %while3A_239 to %while3A_246 step %while3A_247 iter_args(%while3A_322 = %while3A_240) -> (i32)  : i32 {
      %mul3A_323 = arith.constant 16 : i32
      %mul3A_324 = arith.muli %while3A_321, %mul3A_323 : i32
      %get3A = arith.index_cast %mul3A_324 : i32 to index
      %get3A_325 = tpu.vector_load %arg5[%get3A] {strides = array<i32>} : memref<8208xi32, #tpu.memory_space<vmem>>, vector<16xi32>,
      %sub3A_326 = vector.broadcast %mul3A_238 : i32 to vector<16xi32>
      %sub3A_327 = arith.subi %get3A_325, %sub3A_326 : vector<16xi32>
      %ge3A_328 = arith.constant 0 : i32
      %ge3A_329 = vector.broadcast %ge3A_328 : i32 to vector<16xi32>
      %ge3A_330 = arith.cmpi sge, %sub3A_327, %ge3A_329 : vector<16xi32>
      %lt3A_331 = arith.constant 25600 : i32
      %lt3A_332 = vector.broadcast %lt3A_331 : i32 to vector<16xi32>
      %lt3A_333 = arith.cmpi slt, %sub3A_327, %lt3A_332 : vector<16xi32>
      %and3A_334 = arith.andi %ge3A_330, %lt3A_333 : vector<16xi1>
      %shift_right_arithmetic3A_335 = arith.constant 7 : i32
      %shift_right_arithmetic3A_336 = vector.broadcast %shift_right_arithmetic3A_335 : i32 to vector<16xi32>
      %shift_right_arithmetic3A_337 = arith.shrsi %sub3A_327, %shift_right_arithmetic3A_336 : vector<16xi32>
      %and3A_338 = arith.constant 127 : i32
      %and3A_339 = vector.broadcast %and3A_338 : i32 to vector<16xi32>
      %and3A_340 = arith.andi %sub3A_327, %and3A_339 : vector<16xi32>
      tpu.vector_store_idx %arg9[%shift_right_arithmetic3A_337, %and3A_340], %broadcast_in_dim3A_36 masked %and3A_334 : memref<200x128xf32, #tpu.memory_space<vmem>>[vector<16xi32>, vector<16xi32>], vector<16xf32>, vector<16xi1>
      %swap3A_341 = arith.index_cast %while3A_322 : i32 to index
      %swap3A_342 = tpu.vector_load %arg6[%swap3A_341] masked %and3A_334 {strides = array<i32>} : memref<8208xi32, #tpu.memory_space<vmem>>, vector<16xi32>, vector<16xi1>
      tpu.vector_store %arg6[%swap3A_341], %sub3A_327 masked %and3A_334 {strides = array<i32>} : memref<8208xi32, #tpu.memory_space<vmem>>, vector<16xi32>, vector<16xi1>
      %convert_element_type3A_343 = arith.extui %and3A_334 : vector<16xi1> to vector<16xi32>
      %reduce_sum3A = arith.constant true
      %reduce_sum3A_344 = vector.broadcast %reduce_sum3A : i1 to vector<16xi1>
      %reduce_sum3A_345 = tpu.scan <sum>, %convert_element_type3A_343 masked %reduce_sum3A_344 : vector<16xi32>, vector<16xi1> -> vector<16xi32>
      %reduce_sum3A_346 = vector.extract %reduce_sum3A_345[15] : i32 from vector<16xi32>
      %add3A_347 = arith.addi %while3A_322, %reduce_sum3A_346 : i32
      scf.yield %add3A_347 : i32
    }
    %while3A_249 = arith.constant 1 : i32
    %while3A_250 = scf.for %while3A_321 = %while3A_246 to %while3A_242 step %while3A_249 iter_args(%while3A_322 = %while3A_248) -> (i32)  : i32 {
      %mul3A_323 = arith.constant 16 : i32
      %mul3A_324 = arith.muli %while3A_321, %mul3A_323 : i32
      %get3A = arith.index_cast %mul3A_324 : i32 to index
      %get3A_325 = tpu.vector_load %arg5[%get3A] {strides = array<i32>} : memref<8208xi32, #tpu.memory_space<vmem>>, vector<16xi32>,
      %sub3A_326 = vector.broadcast %mul3A_238 : i32 to vector<16xi32>
      %sub3A_327 = arith.subi %get3A_325, %sub3A_326 : vector<16xi32>
      %ge3A_328 = arith.constant 0 : i32
      %ge3A_329 = vector.broadcast %ge3A_328 : i32 to vector<16xi32>
      %ge3A_330 = arith.cmpi sge, %sub3A_327, %ge3A_329 : vector<16xi32>
      %lt3A_331 = arith.constant 25600 : i32
      %lt3A_332 = vector.broadcast %lt3A_331 : i32 to vector<16xi32>
      %lt3A_333 = arith.cmpi slt, %sub3A_327, %lt3A_332 : vector<16xi32>
      %and3A_334 = arith.andi %ge3A_330, %lt3A_333 : vector<16xi1>
      %shift_right_arithmetic3A_335 = arith.constant 7 : i32
      %shift_right_arithmetic3A_336 = vector.broadcast %shift_right_arithmetic3A_335 : i32 to vector<16xi32>
      %shift_right_arithmetic3A_337 = arith.shrsi %sub3A_327, %shift_right_arithmetic3A_336 : vector<16xi32>
      %and3A_338 = arith.constant 127 : i32
      %and3A_339 = vector.broadcast %and3A_338 : i32 to vector<16xi32>
      %and3A_340 = arith.andi %sub3A_327, %and3A_339 : vector<16xi32>
      tpu.vector_store_idx %arg9[%shift_right_arithmetic3A_337, %and3A_340], %broadcast_in_dim3A_36 masked %and3A_334 : memref<200x128xf32, #tpu.memory_space<vmem>>[vector<16xi32>, vector<16xi32>], vector<16xf32>, vector<16xi1>
      %swap3A_341 = arith.index_cast %while3A_322 : i32 to index
      %swap3A_342 = tpu.vector_load %arg6[%swap3A_341] masked %and3A_334 {strides = array<i32>} : memref<8208xi32, #tpu.memory_space<vmem>>, vector<16xi32>, vector<16xi1>
      tpu.vector_store %arg6[%swap3A_341], %sub3A_327 masked %and3A_334 {strides = array<i32>} : memref<8208xi32, #tpu.memory_space<vmem>>, vector<16xi32>, vector<16xi1>
      %convert_element_type3A_343 = arith.extui %and3A_334 : vector<16xi1> to vector<16xi32>
      %reduce_sum3A = arith.constant true
      %reduce_sum3A_344 = vector.broadcast %reduce_sum3A : i1 to vector<16xi1>
      %reduce_sum3A_345 = tpu.scan <sum>, %convert_element_type3A_343 masked %reduce_sum3A_344 : vector<16xi32>, vector<16xi1> -> vector<16xi32>
      %reduce_sum3A_346 = vector.extract %reduce_sum3A_345[15] : i32 from vector<16xi32>
      %add3A_347 = arith.addi %while3A_322, %reduce_sum3A_346 : i32
      scf.yield %add3A_347 : i32
    }
    %swap3A_251 = arith.index_cast %while3A_250 : i32 to index
    %swap3A_252 = tpu.vector_load %arg6[%swap3A_251] {strides = array<i32>} : memref<8208xi32, #tpu.memory_space<vmem>>, vector<16xi32>,
    tpu.vector_store %arg6[%swap3A_251], %broadcast_in_dim3A_40 {strides = array<i32>} : memref<8208xi32, #tpu.memory_space<vmem>>, vector<16xi32>,
    %mul3A_253 = arith.constant 123 : i32
    %mul3A_254 = arith.constant 200 : i32
    %mul3A_255 = arith.muli %mul3A_253, %mul3A_254 : i32
    %add3A_256 = arith.addi %mul3A_32, %mul3A_255 : i32
    %dma_start3A_257 = tpu.memref_slice %arg3[%add3A_256, %mul3A_61] : memref<100000x1024xf32, #tpu.memory_space<hbm>> -> memref<200x128xf32, #tpu.memory_space<hbm>>
    %dma_start3A_258 = tpu.memref_slice %arg3[%add3A_256, %mul3A_61] : memref<100000x1024xf32, #tpu.memory_space<hbm>> -> memref<200x128xf32, #tpu.memory_space<hbm>>
    tpu.enqueue_dma source(%arg9 : memref<200x128xf32, #tpu.memory_space<vmem>>) target(%dma_start3A_258 : memref<200x128xf32, #tpu.memory_space<hbm>>) target_semaphore(%arg12 : memref<!tpu.dma_semaphore, #tpu.memory_space<semaphore_mem>>)
    %ge3A_259 = arith.constant 124 : i32
    %ge3A_260 = arith.constant 3 : i32
    %ge3A_261 = arith.cmpi sge, %ge3A_259, %ge3A_260 : i32
    %convert_element_type3A_262 = arith.extui %ge3A_261 : i1 to i32
    %cond3A_263 = arith.constant 124 : i32
    %cond3A_264 = arith.constant 0 : i32
    %cond3A_265 = arith.cmpi ne, %convert_element_type3A_262, %cond3A_264 : i32
    scf.if %cond3A_265 {
      %sub3A_321 = arith.constant 3 : i32
      %sub3A_322 = arith.subi %cond3A_263, %sub3A_321 : i32
      %mul3A_323 = arith.constant 200 : i32
      %mul3A_324 = arith.muli %sub3A_322, %mul3A_323 : i32
      %add3A_325 = arith.addi %mul3A_32, %mul3A_324 : i32
      %dma_wait3A_326 = tpu.memref_slice %arg3[%add3A_325, %mul3A_61] : memref<100000x1024xf32, #tpu.memory_space<hbm>> -> memref<200x128xf32, #tpu.memory_space<hbm>>
      %dma_wait3A_327 = tpu.memref_slice %arg3[%add3A_325, %mul3A_61] : memref<100000x1024xf32, #tpu.memory_space<hbm>> -> memref<200x128xf32, #tpu.memory_space<hbm>>
      tpu.wait_dma2 semaphore(%arg13 : memref<!tpu.dma_semaphore, #tpu.memory_space<semaphore_mem>>) src(%arg10 : memref<200x128xf32, #tpu.memory_space<vmem>>) dst(%dma_wait3A_327 : memref<200x128xf32, #tpu.memory_space<hbm>>)
    } else {
    }
    %add3A_266 = arith.constant 15 : i32
    %add3A_267 = arith.addi %scan3A_213#1, %add3A_266 : i32
    %shift_right_arithmetic3A_268 = arith.constant 4 : i32
    %shift_right_arithmetic3A_269 = arith.shrsi %add3A_267, %shift_right_arithmetic3A_268 : i32
    %while3A_270 = arith.constant 0 : i32
    %while3A_271 = arith.constant 0 : i32
    %while3A_272 = arith.subi %shift_right_arithmetic3A_269, %while3A_271 : i32
    %while3A_273 = arith.addi %while3A_271, %while3A_272 : i32
    %while3A_274 = arith.constant 1 : i32
    %while3A_275 = arith.divsi %while3A_272, %while3A_274 : i32
    %while3A_276 = arith.muli %while3A_275, %while3A_274 : i32
    %while3A_277 = arith.addi %while3A_271, %while3A_276 : i32
    %while3A_278 = arith.constant 1 : i32
    scf.for %while3A_321 = %while3A_271 to %while3A_277 step %while3A_278  : i32 {
      %mul3A_322 = arith.constant 16 : i32
      %mul3A_323 = arith.muli %while3A_321, %mul3A_322 : i32
      %get3A = arith.index_cast %mul3A_323 : i32 to index
      %get3A_324 = tpu.vector_load %arg7[%get3A] {strides = array<i32>} : memref<8208xi32, #tpu.memory_space<vmem>>, vector<16xi32>,
      %shift_right_arithmetic3A_325 = arith.constant 7 : i32
      %shift_right_arithmetic3A_326 = vector.broadcast %shift_right_arithmetic3A_325 : i32 to vector<16xi32>
      %shift_right_arithmetic3A_327 = arith.shrsi %get3A_324, %shift_right_arithmetic3A_326 : vector<16xi32>
      %and3A_328 = arith.constant 127 : i32
      %and3A_329 = vector.broadcast %and3A_328 : i32 to vector<16xi32>
      %and3A_330 = arith.andi %get3A_324, %and3A_329 : vector<16xi32>
      %lt3A_331 = arith.constant 25600 : i32
      %lt3A_332 = vector.broadcast %lt3A_331 : i32 to vector<16xi32>
      %lt3A_333 = arith.cmpi slt, %get3A_324, %lt3A_332 : vector<16xi32>
      tpu.vector_store_idx %arg10[%shift_right_arithmetic3A_327, %and3A_330], %broadcast_in_dim3A_38 masked %lt3A_333 : memref<200x128xf32, #tpu.memory_space<vmem>>[vector<16xi32>, vector<16xi32>], vector<16xf32>, vector<16xi1>
    }
    %while3A_279 = arith.constant 1 : i32
    scf.for %while3A_321 = %while3A_277 to %while3A_273 step %while3A_279  : i32 {
      %mul3A_322 = arith.constant 16 : i32
      %mul3A_323 = arith.muli %while3A_321, %mul3A_322 : i32
      %get3A = arith.index_cast %mul3A_323 : i32 to index
      %get3A_324 = tpu.vector_load %arg7[%get3A] {strides = array<i32>} : memref<8208xi32, #tpu.memory_space<vmem>>, vector<16xi32>,
      %shift_right_arithmetic3A_325 = arith.constant 7 : i32
      %shift_right_arithmetic3A_326 = vector.broadcast %shift_right_arithmetic3A_325 : i32 to vector<16xi32>
      %shift_right_arithmetic3A_327 = arith.shrsi %get3A_324, %shift_right_arithmetic3A_326 : vector<16xi32>
      %and3A_328 = arith.constant 127 : i32
      %and3A_329 = vector.broadcast %and3A_328 : i32 to vector<16xi32>
      %and3A_330 = arith.andi %get3A_324, %and3A_329 : vector<16xi32>
      %lt3A_331 = arith.constant 25600 : i32
      %lt3A_332 = vector.broadcast %lt3A_331 : i32 to vector<16xi32>
      %lt3A_333 = arith.cmpi slt, %get3A_324, %lt3A_332 : vector<16xi32>
      tpu.vector_store_idx %arg10[%shift_right_arithmetic3A_327, %and3A_330], %broadcast_in_dim3A_38 masked %lt3A_333 : memref<200x128xf32, #tpu.memory_space<vmem>>[vector<16xi32>, vector<16xi32>], vector<16xf32>, vector<16xi1>
    }
    %mul3A_280 = arith.constant 124 : i32
    %mul3A_281 = arith.constant 25600 : i32
    %mul3A_282 = arith.muli %mul3A_280, %mul3A_281 : i32
    %while3A_283 = arith.constant 0 : i32
    %while3A_284 = arith.constant 0 : i32
    %while3A_285 = arith.subi %shift_right_arithmetic3A_59, %while3A_283 : i32
    %while3A_286 = arith.addi %while3A_283, %while3A_285 : i32
    %while3A_287 = arith.constant 1 : i32
    %while3A_288 = arith.divsi %while3A_285, %while3A_287 : i32
    %while3A_289 = arith.muli %while3A_288, %while3A_287 : i32
    %while3A_290 = arith.addi %while3A_283, %while3A_289 : i32
    %while3A_291 = arith.constant 1 : i32
    %while3A_292 = scf.for %while3A_321 = %while3A_283 to %while3A_290 step %while3A_291 iter_args(%while3A_322 = %while3A_284) -> (i32)  : i32 {
      %mul3A_323 = arith.constant 16 : i32
      %mul3A_324 = arith.muli %while3A_321, %mul3A_323 : i32
      %get3A = arith.index_cast %mul3A_324 : i32 to index
      %get3A_325 = tpu.vector_load %arg5[%get3A] {strides = array<i32>} : memref<8208xi32, #tpu.memory_space<vmem>>, vector<16xi32>,
      %sub3A_326 = vector.broadcast %mul3A_282 : i32 to vector<16xi32>
      %sub3A_327 = arith.subi %get3A_325, %sub3A_326 : vector<16xi32>
      %ge3A_328 = arith.constant 0 : i32
      %ge3A_329 = vector.broadcast %ge3A_328 : i32 to vector<16xi32>
      %ge3A_330 = arith.cmpi sge, %sub3A_327, %ge3A_329 : vector<16xi32>
      %lt3A_331 = arith.constant 25600 : i32
      %lt3A_332 = vector.broadcast %lt3A_331 : i32 to vector<16xi32>
      %lt3A_333 = arith.cmpi slt, %sub3A_327, %lt3A_332 : vector<16xi32>
      %and3A_334 = arith.andi %ge3A_330, %lt3A_333 : vector<16xi1>
      %shift_right_arithmetic3A_335 = arith.constant 7 : i32
      %shift_right_arithmetic3A_336 = vector.broadcast %shift_right_arithmetic3A_335 : i32 to vector<16xi32>
      %shift_right_arithmetic3A_337 = arith.shrsi %sub3A_327, %shift_right_arithmetic3A_336 : vector<16xi32>
      %and3A_338 = arith.constant 127 : i32
      %and3A_339 = vector.broadcast %and3A_338 : i32 to vector<16xi32>
      %and3A_340 = arith.andi %sub3A_327, %and3A_339 : vector<16xi32>
      tpu.vector_store_idx %arg10[%shift_right_arithmetic3A_337, %and3A_340], %broadcast_in_dim3A_36 masked %and3A_334 : memref<200x128xf32, #tpu.memory_space<vmem>>[vector<16xi32>, vector<16xi32>], vector<16xf32>, vector<16xi1>
      %swap3A_341 = arith.index_cast %while3A_322 : i32 to index
      %swap3A_342 = tpu.vector_load %arg7[%swap3A_341] masked %and3A_334 {strides = array<i32>} : memref<8208xi32, #tpu.memory_space<vmem>>, vector<16xi32>, vector<16xi1>
      tpu.vector_store %arg7[%swap3A_341], %sub3A_327 masked %and3A_334 {strides = array<i32>} : memref<8208xi32, #tpu.memory_space<vmem>>, vector<16xi32>, vector<16xi1>
      %convert_element_type3A_343 = arith.extui %and3A_334 : vector<16xi1> to vector<16xi32>
      %reduce_sum3A = arith.constant true
      %reduce_sum3A_344 = vector.broadcast %reduce_sum3A : i1 to vector<16xi1>
      %reduce_sum3A_345 = tpu.scan <sum>, %convert_element_type3A_343 masked %reduce_sum3A_344 : vector<16xi32>, vector<16xi1> -> vector<16xi32>
      %reduce_sum3A_346 = vector.extract %reduce_sum3A_345[15] : i32 from vector<16xi32>
      %add3A_347 = arith.addi %while3A_322, %reduce_sum3A_346 : i32
      scf.yield %add3A_347 : i32
    }
    %while3A_293 = arith.constant 1 : i32
    %while3A_294 = scf.for %while3A_321 = %while3A_290 to %while3A_286 step %while3A_293 iter_args(%while3A_322 = %while3A_292) -> (i32)  : i32 {
      %mul3A_323 = arith.constant 16 : i32
      %mul3A_324 = arith.muli %while3A_321, %mul3A_323 : i32
      %get3A = arith.index_cast %mul3A_324 : i32 to index
      %get3A_325 = tpu.vector_load %arg5[%get3A] {strides = array<i32>} : memref<8208xi32, #tpu.memory_space<vmem>>, vector<16xi32>,
      %sub3A_326 = vector.broadcast %mul3A_282 : i32 to vector<16xi32>
      %sub3A_327 = arith.subi %get3A_325, %sub3A_326 : vector<16xi32>
      %ge3A_328 = arith.constant 0 : i32
      %ge3A_329 = vector.broadcast %ge3A_328 : i32 to vector<16xi32>
      %ge3A_330 = arith.cmpi sge, %sub3A_327, %ge3A_329 : vector<16xi32>
      %lt3A_331 = arith.constant 25600 : i32
      %lt3A_332 = vector.broadcast %lt3A_331 : i32 to vector<16xi32>
      %lt3A_333 = arith.cmpi slt, %sub3A_327, %lt3A_332 : vector<16xi32>
      %and3A_334 = arith.andi %ge3A_330, %lt3A_333 : vector<16xi1>
      %shift_right_arithmetic3A_335 = arith.constant 7 : i32
      %shift_right_arithmetic3A_336 = vector.broadcast %shift_right_arithmetic3A_335 : i32 to vector<16xi32>
      %shift_right_arithmetic3A_337 = arith.shrsi %sub3A_327, %shift_right_arithmetic3A_336 : vector<16xi32>
      %and3A_338 = arith.constant 127 : i32
      %and3A_339 = vector.broadcast %and3A_338 : i32 to vector<16xi32>
      %and3A_340 = arith.andi %sub3A_327, %and3A_339 : vector<16xi32>
      tpu.vector_store_idx %arg10[%shift_right_arithmetic3A_337, %and3A_340], %broadcast_in_dim3A_36 masked %and3A_334 : memref<200x128xf32, #tpu.memory_space<vmem>>[vector<16xi32>, vector<16xi32>], vector<16xf32>, vector<16xi1>
      %swap3A_341 = arith.index_cast %while3A_322 : i32 to index
      %swap3A_342 = tpu.vector_load %arg7[%swap3A_341] masked %and3A_334 {strides = array<i32>} : memref<8208xi32, #tpu.memory_space<vmem>>, vector<16xi32>, vector<16xi1>
      tpu.vector_store %arg7[%swap3A_341], %sub3A_327 masked %and3A_334 {strides = array<i32>} : memref<8208xi32, #tpu.memory_space<vmem>>, vector<16xi32>, vector<16xi1>
      %convert_element_type3A_343 = arith.extui %and3A_334 : vector<16xi1> to vector<16xi32>
      %reduce_sum3A = arith.constant true
      %reduce_sum3A_344 = vector.broadcast %reduce_sum3A : i1 to vector<16xi1>
      %reduce_sum3A_345 = tpu.scan <sum>, %convert_element_type3A_343 masked %reduce_sum3A_344 : vector<16xi32>, vector<16xi1> -> vector<16xi32>
      %reduce_sum3A_346 = vector.extract %reduce_sum3A_345[15] : i32 from vector<16xi32>
      %add3A_347 = arith.addi %while3A_322, %reduce_sum3A_346 : i32
      scf.yield %add3A_347 : i32
    }
    %swap3A_295 = arith.index_cast %while3A_294 : i32 to index
    %swap3A_296 = tpu.vector_load %arg7[%swap3A_295] {strides = array<i32>} : memref<8208xi32, #tpu.memory_space<vmem>>, vector<16xi32>,
    tpu.vector_store %arg7[%swap3A_295], %broadcast_in_dim3A_40 {strides = array<i32>} : memref<8208xi32, #tpu.memory_space<vmem>>, vector<16xi32>,
    %mul3A_297 = arith.constant 124 : i32
    %mul3A_298 = arith.constant 200 : i32
    %mul3A_299 = arith.muli %mul3A_297, %mul3A_298 : i32
    %add3A_300 = arith.addi %mul3A_32, %mul3A_299 : i32
    %dma_start3A_301 = tpu.memref_slice %arg3[%add3A_300, %mul3A_61] : memref<100000x1024xf32, #tpu.memory_space<hbm>> -> memref<200x128xf32, #tpu.memory_space<hbm>>
    %dma_start3A_302 = tpu.memref_slice %arg3[%add3A_300, %mul3A_61] : memref<100000x1024xf32, #tpu.memory_space<hbm>> -> memref<200x128xf32, #tpu.memory_space<hbm>>
    tpu.enqueue_dma source(%arg10 : memref<200x128xf32, #tpu.memory_space<vmem>>) target(%dma_start3A_302 : memref<200x128xf32, #tpu.memory_space<hbm>>) target_semaphore(%arg13 : memref<!tpu.dma_semaphore, #tpu.memory_space<semaphore_mem>>)
    %mul3A_303 = arith.constant 123 : i32
    %mul3A_304 = arith.constant 200 : i32
    %mul3A_305 = arith.muli %mul3A_303, %mul3A_304 : i32
    %add3A_306 = arith.addi %mul3A_32, %mul3A_305 : i32
    %dma_wait3A_307 = tpu.memref_slice %arg3[%add3A_306, %mul3A_61] : memref<100000x1024xf32, #tpu.memory_space<hbm>> -> memref<200x128xf32, #tpu.memory_space<hbm>>
    %dma_wait3A_308 = tpu.memref_slice %arg3[%add3A_306, %mul3A_61] : memref<100000x1024xf32, #tpu.memory_space<hbm>> -> memref<200x128xf32, #tpu.memory_space<hbm>>
    tpu.wait_dma2 semaphore(%arg12 : memref<!tpu.dma_semaphore, #tpu.memory_space<semaphore_mem>>) src(%arg9 : memref<200x128xf32, #tpu.memory_space<vmem>>) dst(%dma_wait3A_308 : memref<200x128xf32, #tpu.memory_space<hbm>>)
    %mul3A_309 = arith.constant 124 : i32
    %mul3A_310 = arith.constant 200 : i32
    %mul3A_311 = arith.muli %mul3A_309, %mul3A_310 : i32
    %add3A_312 = arith.addi %mul3A_32, %mul3A_311 : i32
    %dma_wait3A_313 = tpu.memref_slice %arg3[%add3A_312, %mul3A_61] : memref<100000x1024xf32, #tpu.memory_space<hbm>> -> memref<200x128xf32, #tpu.memory_space<hbm>>
    %dma_wait3A_314 = tpu.memref_slice %arg3[%add3A_312, %mul3A_61] : memref<100000x1024xf32, #tpu.memory_space<hbm>> -> memref<200x128xf32, #tpu.memory_space<hbm>>
    tpu.wait_dma2 semaphore(%arg13 : memref<!tpu.dma_semaphore, #tpu.memory_space<semaphore_mem>>) src(%arg10 : memref<200x128xf32, #tpu.memory_space<vmem>>) dst(%dma_wait3A_314 : memref<200x128xf32, #tpu.memory_space<hbm>>)
    %mul3A_315 = arith.constant 122 : i32
    %mul3A_316 = arith.constant 200 : i32
    %mul3A_317 = arith.muli %mul3A_315, %mul3A_316 : i32
    %add3A_318 = arith.addi %mul3A_32, %mul3A_317 : i32
    %dma_wait3A_319 = tpu.memref_slice %arg3[%add3A_318, %mul3A_61] : memref<100000x1024xf32, #tpu.memory_space<hbm>> -> memref<200x128xf32, #tpu.memory_space<hbm>>
    %dma_wait3A_320 = tpu.memref_slice %arg3[%add3A_318, %mul3A_61] : memref<100000x1024xf32, #tpu.memory_space<hbm>> -> memref<200x128xf32, #tpu.memory_space<hbm>>
    tpu.wait_dma2 semaphore(%arg14 : memref<!tpu.dma_semaphore, #tpu.memory_space<semaphore_mem>>) src(%arg11 : memref<200x128xf32, #tpu.memory_space<vmem>>) dst(%dma_wait3A_320 : memref<200x128xf32, #tpu.memory_space<hbm>>)
    return
  }
}

module attributes {stable_mosaic.version = 14 : i64} {
  func.func @_xcopy(%arg0: memref<2x1024x128xf32, #tpu.memory_space<vmem>>, %arg1: memref<1024x128xf32, #tpu.memory_space<vmem>>, %arg2: memref<1024x128xf32, #tpu.memory_space<vmem>>) attributes {dimension_semantics = [], scalar_prefetch = 0 : i64, scratch_operands = 0 : i64, tpu.core_type = #tpu.core_type<tc>} {
    %get3A = arith.constant 0 : index
    %get3A_0 = arith.constant 0 : index
    %get3A_1 = arith.constant 0 : index
    %get3A_2 = vector.load %arg0[%get3A, %get3A_0, %get3A_1] : memref<2x1024x128xf32, #tpu.memory_space<vmem>>, vector<1x1024x128xf32>
    %get3A_3 = vector.shape_cast %get3A_2 : vector<1x1024x128xf32> to vector<1024x128xf32>
    %swap3A = arith.constant 0 : index
    %swap3A_4 = arith.constant 0 : index
    %swap3A_5 = vector.load %arg1[%swap3A, %swap3A_4] : memref<1024x128xf32, #tpu.memory_space<vmem>>, vector<1024x128xf32>
    tpu.vector_store %arg1[%swap3A, %swap3A_4], %get3A_3 {strides = array<i32>} : memref<1024x128xf32, #tpu.memory_space<vmem>>, vector<1024x128xf32>,
    %get3A_6 = arith.constant 1 : index
    %get3A_7 = arith.constant 0 : index
    %get3A_8 = arith.constant 0 : index
    %get3A_9 = vector.load %arg0[%get3A_6, %get3A_7, %get3A_8] : memref<2x1024x128xf32, #tpu.memory_space<vmem>>, vector<1x1024x128xf32>
    %get3A_10 = vector.shape_cast %get3A_9 : vector<1x1024x128xf32> to vector<1024x128xf32>
    %swap3A_11 = arith.constant 0 : index
    %swap3A_12 = arith.constant 0 : index
    %swap3A_13 = vector.load %arg2[%swap3A_11, %swap3A_12] : memref<1024x128xf32, #tpu.memory_space<vmem>>, vector<1024x128xf32>
    tpu.vector_store %arg2[%swap3A_11, %swap3A_12], %get3A_10 {strides = array<i32>} : memref<1024x128xf32, #tpu.memory_space<vmem>>, vector<1024x128xf32>,
    return
  }
}

</mosaic_0001>

<sc_bundles>
// kernel: _teacher_force.4.cloned.1.call-start
scs
__scs_entry_jumppad:
0x0: {  	(pc) =	sbr.rel $0x88, $3  }
0x1: {  	(tag) =	ssettag $0x0;
	lr =	simm.s32 $0x1  }
0x2: {  	[smem:$0x3F9E] =	sst lr;
	_ =	strace $0xD0000000  }
0x3: {  	_ = 	snop  }
0x4: {  	_ = 	snop  }
0x5: {  	_ = 	snop  }
0x6: {  	_ = 	snop  }
0x7: {  	_ = 	snop  }
__scs_overlays_trampoline_lowered:
0x8: {  	[smem:$0x3FAD] =	sst s0  }
0x9: {  	[smem:$0x3FAE] =	sst s1  }
0xa: {  	[smem:$0x3FAF] =	sst s2  }
0xb: {  	[smem:$0x3FB0] =	sst s3  }
0xc: {  	[smem:$0x3FB1] =	sst s4  }
0xd: {  	[smem:$0x3FB2] =	sst s5  }
0xe: {  	[smem:$0x3FB3] =	sst s6  }
0xf: {  	[smem:$0x3FB4] =	sst s7  }
0x10: {  	[smem:$0x3FB5] =	sst s8  }
0x11: {  	[smem:$0x3FB6] =	sst s9;
	s0 =	simm.s32 @!p0 $0x0  }
0x12: {  	s1 =	sld [smem:$0x3F9C];
	s0 =	simm.s32 @p0 $0x1  }
0x13: {  	[smem:$0x3FB7] =	sst s0;
	s0 =	simm.s32 @!p1 $0x0  }
0x14: {  	s2 =	sld [smem:$0x3F9B];
	s0 =	simm.s32 @p1 $0x1  }
0x15: {  	[smem:$0x3FB8] =	sst s0;
	s0 =	simm.s32 @!p2 $0x0  }
0x16: {  	s3 =	sld [smem:$0x3FDB];
	s0 =	simm.s32 @p2 $0x1  }
0x17: {  	s4 =	simm.s32 $0x1BF5;
	[smem:$0x3FBA] =	sst s0  }
0x18: {  	s0 =	sld [smem:$0x3F9D];
	_ =	swait.ge [sflag:s4], $0x0  }
0x19: {  	s7 =	sld [smem:$0x3F9E]  }
0x1a: {  	s8 =	sadd.s32 $0xFFFFE003, lr  }
0x1b: {  	s9 =	sadd.s32 $0xFFFFFEF7, lr;
	s5 =	simm.s32 $0xFFFFFFFF;
	p2 =	slt.u32 s8, $0xFFFFF086  }
0x1c: {  	p1 =	slt.u32 s9, $0xF7A;
	s5 =	simm.s32 @!p2 $0x0  }
0x1d: {  	s5 =	simm.s32 @p1 $0x1;
	p0 =	seq.s32 s7, s2  }
0x1e: {  	s7 =	smul.u32 @!p0 $0xF7A, s2;
	p2 =	seq.s32 @!p0 s5, $0x0  }
0x1f: {  	s9 =	smul.u32 $0xF7A, s1;
	s8 =	simm.s32 @!p0 $0x1BF5;
	p2 =	por !p2, p0  }
0x20: {  	[sflag:s8] =	ssyncset.s32 @!p0 $0xFFFFF086;
	s6 =	sadd.s32 @!p0 s3, s7;
	s7 =	simm.s32 @!p0 $0x108  }
0x21: {  	s3 =	sadd.s32 s3, s9;
	s6 =	sadd.s32 @!p0 $0x88, s6;
	s7 =	simm.s32 @p2 $0x1082  }
0x22: {  	[simem:s7], [sflag:s8] =	dma.local @!p0 [hbm:s6], $0xF7A  }
0x23: {  	s9 =	sor.u32 $0xD0000000, s2;
	s6 =	simm.s32 $0x108;
	_ =	swait.ge @!p0 [sflag:s8], $0x0  }
0x24: {  	s3 =	sadd.s32 $0x88, s3;
	s6 =	simm.s32 @!p1 $0x1082;
	[sflag:s4] =	ssyncset.s32 $0xFFFFF086  }
0x25: {  	[simem:s6], [sflag:s4] =	dma.local [hbm:s3], $0xF7A  }
0x26: {  	[smem:$0x3F9E] =	sst s1;
	(tag) =	ssettag s2;
	_ =	strace s9  }
0x27: {  	s1 =	sld [smem:$0x3FAE]  }
0x28: {  	s2 =	sld [smem:$0x3FAF]  }
0x29: {  	s4 =	sld [smem:$0x3FB1]  }
0x2a: {  	p0 =	seq.s32 s5, $0x0;
	s5 =	sld [smem:$0x3FB2]  }
0x2b: {  	s6 =	sld [smem:$0x3FB3]  }
0x2c: {  	s7 =	sld [smem:$0x3FB4]  }
0x2d: {  	s3 =	simm.s32 $0x108;
	s8 =	sld [smem:$0x3FB5]  }
0x2e: {  	s3 =	simm.s32 @!p0 $0x1082;
	s9 =	sld [smem:$0x3FB6]  }
0x2f: {  	lr =	sadd.s32 s0, s3;
	s0 =	sld [smem:$0x3FAD]  }
0x30: {  	s3 =	sld [smem:$0x3FB0]  }
0x31: {  	[smem:$0x3FB9] =	sst s10  }
0x32: {  	s10 =	sld [smem:$0x3FB7];
	_ =	sdelay $0x3  }
0x33: {  	p0 =	seq.s32 s10, $0x1;
	s10 =	sld [smem:$0x3FB9];
	_ =	sdelay $0x3  }
0x34: {  	[smem:$0x3FB9] =	sst s10  }
0x35: {  	s10 =	sld [smem:$0x3FB8];
	_ =	sdelay $0x3  }
0x36: {  	p1 =	seq.s32 s10, $0x1;
	s10 =	sld [smem:$0x3FB9];
	_ =	sdelay $0x3  }
0x37: {  	[smem:$0x3FB9] =	sst s10  }
0x38: {  	s10 =	sld [smem:$0x3FBA]  }
0x39: {  	_ = 	snop;
	(pc) =	sbr.ind lr, $3  }
0x3a: {  	_ = 	snop  }
0x3b: {  	_ = 	snop  }
0x3c: {  	p2 =	seq.s32 s10, $0x1;
	s10 =	sld [smem:$0x3FB9]  }
0x3d: {  	_ =	shalt  }
0x3e: {  	_ =	shalt  }
0x3f: {  	_ =	shalt  }
0x40: {  	_ =	shalt  }
0x41: {  	_ =	shalt  }
0x42: {  	_ =	shalt  }
0x43: {  	_ =	shalt  }
0x44: {  	_ =	shalt  }
0x45: {  	_ =	shalt  }
0x46: {  	_ =	shalt  }
0x47: {  	_ =	shalt  }
0x48: {  	_ =	shalt  }
0x49: {  	_ =	shalt  }
0x4a: {  	_ =	shalt  }
0x4b: {  	_ =	shalt  }
0x4c: {  	_ =	shalt  }
0x4d: {  	_ =	shalt  }
0x4e: {  	_ =	shalt  }
0x4f: {  	_ =	shalt  }
0x50: {  	_ =	shalt  }
0x51: {  	_ =	shalt  }
0x52: {  	_ =	shalt  }
0x53: {  	_ =	shalt  }
0x54: {  	_ =	shalt  }
0x55: {  	_ =	shalt  }
0x56: {  	_ =	shalt  }
0x57: {  	_ =	shalt  }
0x58: {  	_ =	shalt  }
0x59: {  	_ =	shalt  }
0x5a: {  	_ =	shalt  }
0x5b: {  	_ =	shalt  }
0x5c: {  	_ =	shalt  }
0x5d: {  	_ =	shalt  }
0x5e: {  	_ =	shalt  }
0x5f: {  	_ =	shalt  }
0x60: {  	_ =	shalt  }
0x61: {  	_ =	shalt  }
0x62: {  	_ =	shalt  }
0x63: {  	_ =	shalt  }
0x64: {  	_ =	shalt  }
0x65: {  	_ =	shalt  }
0x66: {  	_ =	shalt  }
0x67: {  	_ =	shalt  }
0x68: {  	_ =	shalt  }
0x69: {  	_ =	shalt  }
0x6a: {  	_ =	shalt  }
0x6b: {  	_ =	shalt  }
0x6c: {  	_ =	shalt  }
0x6d: {  	_ =	shalt  }
0x6e: {  	_ =	shalt  }
0x6f: {  	_ =	shalt  }
0x70: {  	_ =	shalt  }
0x71: {  	_ =	shalt  }
0x72: {  	_ =	shalt  }
0x73: {  	_ =	shalt  }
0x74: {  	_ =	shalt  }
0x75: {  	_ =	shalt  }
0x76: {  	_ =	shalt  }
0x77: {  	_ =	shalt  }
0x78: {  	_ =	shalt  }
0x79: {  	_ =	shalt  }
0x7a: {  	_ =	shalt  }
0x7b: {  	_ =	shalt  }
0x7c: {  	_ =	shalt  }
0x7d: {  	_ =	shalt  }
0x7e: {  	_ =	shalt  }
0x7f: {  	_ =	shalt  }
0x80: {  	_ =	shalt  }
0x81: {  	_ =	shalt  }
0x82: {  	_ =	shalt  }
0x83: {  	_ =	shalt  }
0x84: {  	_ =	shalt  }
0x85: {  	_ =	shalt  }
0x86: {  	_ =	shalt  }
0x87: {  	_ =	shalt  }
.Lfunc_end0:
.L_simem_size_0:
called_computation_lowered:
.L_overlay_start_0:
0x88: {  	s2 =	sld [smem:$0x3FD9]  }
0x89: {  	s3 =	sld [smem:$0x3FFE];
	_ =	sdelay $0x1  }
0x8a: {  	s1 =	srdreg.scid  }
0x8b: {  	s0 =	sand.u32 $0x1, s1  }
0x8c: {  	s14 =	sshll.u32 s0, $0xA;
	s2 =	sadd.s32 s3, s2  }
0x8d: {  	s2 =	sadd.s32 s2, s14  }
0x8e: {  	[smem:$0x3FC5] =	sst s2  }
0x8f: {  	_ = 	snop  }
0x90: {  	s2 =	sld [smem:$0x3FD0];
	_ =	sdelay $0x2  }
0x91: {  	s15 =	simm.s32 $0xA;
	s4 =	simm.s32 $0x10  }
0x92: {  	[smem:s4], [sflag:s15] =	dma.local [hbm:s2], $0x1  }
0x93: {  	_ =	swait.eq [sflag:s15], $0x1  }
0x94: {  	[sflag:s15] =	ssyncset.done $0x0  }
0x95: {  	[sflag:s15] =	ssyncadd.s32 $0xFFFFFFFF  }
0x96: {  	s16 =	sld [smem:$0x12];
	(tm) =	ssettm $0x1  }
0x97: {  	s17 =	sld [smem:$0x3FFB];
	_ =	sdelay $0x3  }
0x98: {  	_ =	strace s17  }
0x99: {  	s3 =	sld [smem:$0x3FFC];
	_ =	sdelay $0x3  }
0x9a: {  	_ =	strace s3  }
0x9b: {  	s3 =	sld [smem:$0x3FFD];
	_ =	sdelay $0x3  }
0x9c: {  	_ =	strace s3  }
0x9d: {  	_ =	strace $0x8FFFFFFF  }
0x9e: {  	s18 =	sld [smem:$0x3FDB];
	_ =	sdelay $0x1  }
0x9f: {  	s19 =	simm.s32 $_scs_section_size  }
0xa0: {  	s5 =	simm.s32 $_size__tile_overlayer_lowered;
	s6 =	simm.s32 $_tile_overlayer_lowered  }
0xa1: {  	s22 =	simm.s32 $0x1BFF;
	s21 =	sshll.u32 s6, $0x1;
	s3 =	sadd.s32 s19, s18  }
0xa2: {  	s7 =	simm.s32 $0x0;
	s20 =	sshll.u32 s5, $0x1;
	s5 =	sadd.s32 s21, s3  }
0xa3: {  	[timem:s7], [sflag:s22] =	dma.local [hbm:s5], s20  }
0xa4: {  	_ =	swait.ge [sflag:s22], s20  }
0xa5: {  	s4 =	ssub.s32 $0x0, s20;
	[sflag:s22] =	ssyncset.done $0x0  }
0xa6: {  	[sflag:s22] =	ssyncadd.s32 s4;
	_ =	sdelay $0x1  }
0xa7: {  	s23 =	simm.s32 $0x1B8B  }
0xa8: {  	_ =	swait.ge [sflag:s23], $0x1  }
0xa9: {  	[sflag:s23] =	ssyncset.done $0x0  }
0xaa: {  	s25 =	simm.s32 $0x1B8E;
	s24 =	sld [smem:$0x3FFE];
	[sflag:s23] =	ssyncadd.s32 $0xFFFFFFFF  }
0xab: {  	s26 =	simm.s32 $execute0_lowered;
	[smem:$0x3FD2] =	sst s25  }
0xac: {  	s5 =	sshll.u32 s26, $0x1;
	_ =	strace $0x80000046;
	[dreg:$0x1] =	wrdreg $0xFFFFFFFF  }
0xad: {  	s28 =	simm.s32 $_size_execute0_lowered;
	s3 =	sadd.s32 s3, s5;
	[dreg:$0x0] =	wrdreg $0x0  }
0xae: {  	s5 =	sshll.u32 s28, $0x1;
	[dreg:$0x2] =	wrdreg s3  }
0xaf: {  	[dreg:$0x3] =	wrdreg s5  }
0xb0: {  	[dreg:$0x4] =	wrdreg $0xC0  }
0xb1: {  	_ =	task [dreg:s7], $0x5FFFF  }
0xb2: {  	[dreg:$0x1] =	wrdreg $0xFFFFFFFF  }
0xb3: {  	[dreg:$0x0] =	wrdreg $0x60  }
0xb4: {  	[dreg:$0x2] =	wrdreg s24  }
0xb5: {  	[dreg:$0x3] =	wrdreg s16  }
0xb6: {  	[dreg:$0x4] =	wrdreg $0x9  }
0xb7: {  	_ =	task.clear_ibuf [dreg:s7], $0x5FFFF;
	_ =	strace $0x90000046  }
0xb8: {  	s29 =	simm.s32 $0x9;
	_ =	strace $0x80000048  }
0xb9: {  	_ =	swait.ge [sflag:s29], $0x1  }
0xba: {  	[sflag:s29] =	ssyncadd.s32 $0xFFFFFFFF  }
0xbb: {  	_ =	strace $0x90000048  }
0xbc: {  	_ =	sfence  }
0xbd: {  	s30 =	sld [smem:$0x0];
	_ =	sdelay $0x2  }
0xbe: {  	s31 =	sshll.u32 s1, $0xD;
	s1 =	sshrl.u32 s1, $0x2  }
0xbf: {  	s3 =	sand.u32 $0x4000, s31;
	s1 =	sadd.s32 s1, s30  }
0xc0: {  	s0 =	sor.u32 s3, s0;
	s1 =	sshll.u32 s1, $0x11  }
0xc1: {  	s0 =	sor.u32 s1, s0  }
0xc2: {  	s0 =	sadd.s32 $0x8F2B, s0  }
0xc3: {  	[sflag:s0] =	ssyncadd.remote.s32 $0x1  }
0xc4: {  	_ =	sfence.sel $0xFFFF  }
0xc5: {  	[dreg:$0x0] =	wrdreg $0xFFFFFFFF;
	(pc) =	sbr.abs _section_cstart, $3  }
0xc6: {  	[dreg:$0x1] =	wrdreg $0xFFFFFFFF  }
0xc7: {  	_ =	task.clear_ibuf [dreg:s7], $0x2FFFF;
	_ =	strace $0x9FFFFFFF  }
0xc8: {  	(tm) =	ssettm $0x7FFFFFFF  }
0xc9: {  	_ =	shalt  }
tec
execute0_lowered:
.L_overlay_start_1:
0x0: {  	(tag) =	ssettag $0x1  }
0x1: {  	s4 =	rddreg [dreg:$0x0]  }
0x2: {  	s2 =	rddreg [dreg:$0x1];
	s3 =	simm.s32 $0x0  }
0x3: {  	s1 =	stileid.u32;
	s5 =	srdreg.scid;
	s13 =	simm.s32 $0xA200  }
0x4: {  	s14 =	simm.s32 $0x400;
	s17 =	simm.s32 $0x16A00;
	s18 =	simm.s32 $0x2  }
0x5: {  	s19 =	simm.s32 $0x3;
	s20 =	simm.s32 $0x0;
	[smem:$0x7FF] =	sst s3  }
0x6: {  	s6 =	sshll.u32 s1, $0x1;
	s5 =	sand.u32 $0x1, s5;
	s7 =	sshrl.u32 s1, $0x2  }
0x7: {  	_ =	strace $0x80000047;
	s6 =	sand.u32 $0x6, s6;
	s15 =	smul.u32 $0x61A8, s7  }
0x8: {  	s25 =	smul.u32 $0x186A000, s7;
	s8 =	sor.u32 s5, s6;
	s5 =	ssub.s32 $0x2, s5  }
0x9: {  	s9 =	sshll.u32 s8, $0xA;
	s10 =	sshrl.u32 s5, $0x1;
	s16 =	sadd.s32 $0x61A8, s15  }
0xa: {  	s8 =	sor.u32 s8, s15;
	v0 =	vmov s15;
	s15 =	simm.s32 $0x2000;
	s4 =	sadd.s32 s9, s4  }
0xb: {  	s11 =	ssub.s32 s5, s10;
	s9 =	sor.u32 s25, s9;
	v1 =	vmov s16;
	s16 =	simm.s32 $0x10600  }
0xc: {  	s4 =	sadd.s32 $0x600, s4;
	s26 =	sadd.s32 $0x32000, s9;
	s6 =	sshrl.u32 s9, $0x3  }
.Ltmp0:
0xd: {  	s29 =	sadd.s32 $0x64000, s9;
	s31 =	sadd.s32 $0x1806000, s9;
	(pc) =	sbr.rel .LBB2_1-.Ltmp0, $4  }
0xe: {  	s9 =	sadd.s32 $0x1838000, s9;
	s11 =	smax.u32 s11, $0x1;
	s28 =	sshrl.u32 s26, $0x3  }
0xf: {  	s5 =	sadd.s32 s2, s6;
	s30 =	sshrl.u32 s29, $0x3;
	s10 =	sshrl.u32 s31, $0x3  }
0x10: {  	v2 =	vimm.f32 $0.0e+00;
	s12 =	sshrl.u32 s9, $0x3;
	s6 =	sadd.s32 s2, s28;
	s7 =	sadd.s32 s2, s30  }
0x11: {  	v3 =	vimm.s32 $0x0;
	v4 =	vimm.s32 $0x40000000;
	v5 =	vimm.f32 $1.000000000e+00;
	s9 =	sadd.s32 s2, s10;
	s10 =	sadd.s32 s2, s12;
	s12 =	simm.s32 $0x1  }
.LBB2_82:
0x12: {  	s21 =	simm.s32 $0x0  }
.LBB2_89:
0x13: {  	v6 =	vadd.s32 $0xFFCF9000, v6  }
0x14: {  	vm0 =	vlt.u32 v6, $0x6400  }
0x15: {  	v7 =	vsel vm0, $0x1, v3  }
0x16: {  	(xrf0) =	vadd.scan.msk.s32 $0xffff, v7;
	_ =	sdelay $0x5  }
0x17: {  	v7, _, _ =	vpop (xrf0)  }
0x18: {  	(v2sf) =	vpush v7, $0xF;
	_ =	sdelay $0xc  }
0x19: {  	s0 =	spop @p0 (v2sf)  }
0x1a: {  	s0 =	sadd.s32 @p0 s21, s0  }
0x1b: {  	[tilespmem:v6+s16+$0x0] =	vst.idx.msk vm0, v5;
	s22 =	smov.u32 @p0 s0;
	s31 =	spop (v2sf)  }
0x1c: {  	[tilespmem:s22+$0x6100] =	vst.msk vm0, v6;
	s22 =	sadd.s32 s22, s31  }
.LBB2_90:
0x1d: {  	[tilespmem:s22+$0x6100] =	vst v4  }
0x1e: {  	[hbm4b:s10+s14] =	stream.strided.scatter [tilespmem:s16], [sflag:$0x2], $0x6400, s15, s14, $0x38;
	[tilespmem:$0x1CE00] =	vst v63  }
0x1f: {  	_ =	swait.ge [sflag:s12], $0x6400  }
0x20: {  	[sflag:s12] =	ssyncset.done $0x0  }
0x21: {  	s20 =	sadd.s32 $0x1, s20;
	[sflag:s12] =	ssyncadd.s32 $0xFFFF9C00  }
0x22: {  	p0 =	sne.s32 s20, s11;
	_ =	swait.ge [sflag:s18], $0x6400  }
.Ltmp1:
0x23: {  	[sflag:s18] =	ssyncset.done $0x0;
	(pc) =	sbr.rel @!p0 .LBB2_91-.Ltmp1, $4  }
0x24: {  	[sflag:s18] =	ssyncadd.s32 $0xFFFF9C00  }
0x25: {  	_ =	swait.ge [sflag:s19], $0x6400  }
0x26: {  	[sflag:s19] =	ssyncset.done $0x0  }
0x27: {  	[sflag:s19] =	ssyncadd.s32 $0xFFFF9C00  }
.LBB2_1:
0x28: {  	[tilespmem:s3], [sflag:$0x1] =	stream.linear.gather [hbm4b:s4+s3], $0x2000, $0x38;
	[tilespmem:$0x1CE00] =	vst v63  }
0x29: {  	s21 =	simm.s32 $0xA240  }
0x2a: {  	[tilespmem:s21+$0xFFFFFFC0] =	vst v2  }
0x2b: {  	[tilespmem:s21+$0x30] =	vst v2  }
0x2c: {  	[tilespmem:s21+$0x20] =	vst v2  }
0x2d: {  	[tilespmem:s21+$0x10] =	vst v2  }
0x2e: {  	[tilespmem:s21+$0x0] =	vst v2  }
0x2f: {  	[tilespmem:s21+$0xFFFFFFF0] =	vst v2  }
0x30: {  	s22 =	simm.s32 $0x0;
	[tilespmem:s21+$0xFFFFFFE0] =	vst v2  }
.LBB2_2:
0x31: {  	s22 =	sadd.s32 $0x8, s22;
	[tilespmem:s21+$0xFFFFFFD0] =	vst v2;
	s21 =	sadd.s32 $0x80, s21  }
0x32: {  	[tilespmem:s21+$0xFFFFFFC0] =	vst v2;
	p0 =	slt.u32 s22, $0x638  }
0x33: {  	[tilespmem:s21+$0x30] =	vst v2  }
.Ltmp2:
0x34: {  	[tilespmem:s21+$0x20] =	vst v2;
	(pc) =	sbr.rel @p0 .LBB2_2-.Ltmp2, $4  }
0x35: {  	[tilespmem:s21+$0x10] =	vst v2  }
0x36: {  	[tilespmem:s21+$0x0] =	vst v2  }
0x37: {  	[tilespmem:s21+$0xFFFFFFF0] =	vst v2  }
0x38: {  	[tilespmem:s21+$0xFFFFFFE0] =	vst v2  }
0x39: {  	[tilespmem:s21+$0xFFFFFFD0] =	vst v2  }
0x3a: {  	_ =	swait.ge [sflag:s12], $0x2000  }
0x3b: {  	[sflag:s12] =	ssyncset.done $0x0  }
0x3c: {  	s25 =	simm.s32 $0x20;
	[sflag:s12] =	ssyncadd.s32 $0xFFFFE000  }
0x3d: {  	v6 =	vld [tilespmem:s25+$0xFFFFFFE0];
	_ =	sdelay $0x2  }
0x3e: {  	s22 =	simm.s32 $0x0  }
0x3f: {  	v7 =	vmov s22  }
0x40: {  	v8 =	vadd.s32 $0xFFFFFFFF, v6;
	vm0 =	vgt.s32 v6, $0x0;
	v6 =	vshra.s32 v7, $0x6  }
0x41: {  	vm1 =	vge.s32 v8, v0;
	v6 =	vbroadcast v6, $0x0;
	v7 =	vsub.s32 v8, v0  }
0x42: {  	vm0 =	vmand vm0, vm1;
	vm1 =	vlt.s32 v8, v1;
	v7 =	vshll.u32 v7, $0x7  }
0x43: {  	vm0 =	vmand vm1, vm0;
	v6 =	vadd.s32 v6, v7  }
0x44: {  	[tilespmem:s22+$0x2000] =	vst.msk vm0, v6;
	v6 =	vsel vm0, $0x1, v3  }
0x45: {  	v7 =	vld [tilespmem:s25+$0xFFFFFFF0];
	(xrf0) =	vadd.scan.msk.s32 $0xffff, v6;
	_ =	sdelay $0x4  }
0x46: {  	v6 =	vadd.s32 $0xFFFFFFFF, v7  }
0x47: {  	vm0 =	vgt.s32 v7, $0x0;
	vm1 =	vge.s32 v6, v0;
	v7, _, _ =	vpop (xrf0)  }
0x48: {  	vm0 =	vmand vm0, vm1;
	vm1 =	vlt.s32 v6, v1;
	(v2sf) =	vpush v7, $0xF  }
0x49: {  	vm0 =	vmand vm1, vm0  }
0x4a: {  	v7 =	vsel vm0, $0x1, v3  }
0x4b: {  	(xrf0) =	vadd.scan.msk.s32 $0xffff, v7;
	_ =	sdelay $0x5  }
0x4c: {  	v7, _, _ =	vpop (xrf0)  }
0x4d: {  	(v2sf) =	vpush v7, $0xF  }
0x4e: {  	s26 =	simm.s32 $0x10  }
0x4f: {  	v7 =	vmov s26  }
0x50: {  	v7 =	vshra.s32 v7, $0x6  }
0x51: {  	v6 =	vsub.s32 v6, v0;
	v7 =	vbroadcast v7, $0x0  }
0x52: {  	v6 =	vshll.u32 v6, $0x7;
	s28 =	spop (v2sf)  }
0x53: {  	v6 =	vadd.s32 v7, v6;
	s22 =	sadd.s32 $0x0, s28  }
0x54: {  	[tilespmem:s22+$0x2000] =	vst.msk vm0, v6  }
0x55: {  	v6 =	vld [tilespmem:s25+$0x0];
	_ =	sdelay $0x2  }
0x56: {  	s23 =	simm.s32 $0x20  }
0x57: {  	v7 =	vmov s23  }
0x58: {  	v8 =	vadd.s32 $0xFFFFFFFF, v6;
	vm0 =	vgt.s32 v6, $0x0;
	v6 =	vshra.s32 v7, $0x6  }
0x59: {  	vm1 =	vge.s32 v8, v0;
	v6 =	vbroadcast v6, $0x0;
	v7 =	vsub.s32 v8, v0  }
0x5a: {  	vm0 =	vmand vm0, vm1;
	vm1 =	vlt.s32 v8, v1;
	v7 =	vshll.u32 v7, $0x7;
	s29 =	spop (v2sf)  }
0x5b: {  	s22 =	sadd.s32 s22, s29;
	vm0 =	vmand vm1, vm0;
	v6 =	vadd.s32 v6, v7  }
0x5c: {  	[tilespmem:s22+$0x2000] =	vst.msk vm0, v6;
	v6 =	vsel vm0, $0x1, v3  }
0x5d: {  	v7 =	vld [tilespmem:s25+$0x10];
	(xrf0) =	vadd.scan.msk.s32 $0xffff, v6;
	_ =	sdelay $0x4  }
0x5e: {  	v6 =	vadd.s32 $0xFFFFFFFF, v7  }
0x5f: {  	vm0 =	vgt.s32 v7, $0x0;
	vm1 =	vge.s32 v6, v0;
	v7, _, _ =	vpop (xrf0)  }
0x60: {  	vm0 =	vmand vm0, vm1;
	vm1 =	vlt.s32 v6, v1;
	(v2sf) =	vpush v7, $0xF  }
0x61: {  	vm0 =	vmand vm1, vm0  }
0x62: {  	v7 =	vsel vm0, $0x1, v3  }
0x63: {  	(xrf0) =	vadd.scan.msk.s32 $0xffff, v7;
	_ =	sdelay $0x5  }
0x64: {  	v7, _, _ =	vpop (xrf0)  }
0x65: {  	(v2sf) =	vpush v7, $0xF  }
0x66: {  	s30 =	simm.s32 $0x30  }
0x67: {  	v7 =	vmov s30  }
0x68: {  	v7 =	vshra.s32 v7, $0x6  }
0x69: {  	v6 =	vsub.s32 v6, v0;
	v7 =	vbroadcast v7, $0x0  }
0x6a: {  	v6 =	vshll.u32 v6, $0x7;
	s31 =	spop (v2sf)  }
0x6b: {  	v6 =	vadd.s32 v7, v6;
	s24 =	sadd.s32 s22, s31  }
0x6c: {  	s22 =	simm.s32 $0x60;
	[tilespmem:s24+$0x2000] =	vst.msk vm0, v6  }
0x6d: {  	v6 =	vld [tilespmem:s22+$0xFFFFFFE0];
	_ =	sdelay $0x2  }
0x6e: {  	s21 =	simm.s32 $0x40  }
0x6f: {  	v7 =	vmov s21  }
0x70: {  	v8 =	vadd.s32 $0xFFFFFFFF, v6;
	vm0 =	vgt.s32 v6, $0x0;
	v6 =	vshra.s32 v7, $0x6  }
0x71: {  	vm1 =	vge.s32 v8, v0;
	v6 =	vbroadcast v6, $0x0;
	v7 =	vsub.s32 v8, v0  }
0x72: {  	s23 =	simm.s32 $0x4;
	vm0 =	vmand vm0, vm1;
	vm1 =	vlt.s32 v8, v1;
	v7 =	vshll.u32 v7, $0x7;
	s25 =	spop (v2sf)  }
.LBB2_4:
0x73: {  	s23 =	sadd.s32 $0x4, s23;
	vm0 =	vmand vm1, vm0;
	v6 =	vadd.s32 v6, v7;
	s24 =	sadd.s32 s24, s25  }
0x74: {  	p0 =	slt.u32 s23, $0x1FC;
	[tilespmem:s24+$0x2000] =	vst.msk vm0, v6;
	v6 =	vsel vm0, $0x1, v3  }
0x75: {  	v7 =	vld [tilespmem:s22+$0xFFFFFFF0];
	(xrf0) =	vadd.scan.msk.s32 $0xffff, v6;
	_ =	sdelay $0x4  }
0x76: {  	v6 =	vadd.s32 $0xFFFFFFFF, v7  }
0x77: {  	vm0 =	vgt.s32 v7, $0x0;
	vm1 =	vge.s32 v6, v0;
	v7 =	vsub.s32 v6, v0;
	v8, _, _ =	vpop (xrf0)  }
0x78: {  	vm0 =	vmand vm0, vm1;
	vm1 =	vlt.s32 v6, v1;
	(v2sf) =	vpush v8, $0xF  }
0x79: {  	v6 =	vshll.u32 v7, $0x7;
	vm0 =	vmand vm1, vm0  }
0x7a: {  	v7 =	vsel vm0, $0x1, v3  }
0x7b: {  	(xrf0) =	vadd.scan.msk.s32 $0xffff, v7;
	_ =	sdelay $0x5  }
0x7c: {  	v7, _, _ =	vpop (xrf0)  }
0x7d: {  	(v2sf) =	vpush v7, $0xF  }
0x7e: {  	s25 =	sadd.s32 $0x10, s21  }
0x7f: {  	v7 =	vmov s25  }
0x80: {  	v7 =	vshra.s32 v7, $0x6  }
0x81: {  	v7 =	vbroadcast v7, $0x0  }
0x82: {  	s25 =	spop (v2sf)  }
0x83: {  	v6 =	vadd.s32 v7, v6;
	s24 =	sadd.s32 s24, s25  }
0x84: {  	[tilespmem:s24+$0x2000] =	vst.msk vm0, v6  }
0x85: {  	v6 =	vld [tilespmem:s22+$0x0];
	_ =	sdelay $0x2  }
0x86: {  	s25 =	sadd.s32 $0x20, s21  }
0x87: {  	v7 =	vmov s25  }
0x88: {  	v8 =	vadd.s32 $0xFFFFFFFF, v6;
	vm0 =	vgt.s32 v6, $0x0;
	v6 =	vshra.s32 v7, $0x6  }
0x89: {  	vm1 =	vge.s32 v8, v0;
	v6 =	vbroadcast v6, $0x0;
	v7 =	vsub.s32 v8, v0  }
0x8a: {  	vm0 =	vmand vm0, vm1;
	vm1 =	vlt.s32 v8, v1;
	v7 =	vshll.u32 v7, $0x7;
	s25 =	spop (v2sf)  }
0x8b: {  	s24 =	sadd.s32 s24, s25;
	vm0 =	vmand vm1, vm0;
	v6 =	vadd.s32 v6, v7  }
0x8c: {  	[tilespmem:s24+$0x2000] =	vst.msk vm0, v6;
	v6 =	vsel vm0, $0x1, v3  }
0x8d: {  	v7 =	vld [tilespmem:s22+$0x10];
	(xrf0) =	vadd.scan.msk.s32 $0xffff, v6;
	_ =	sdelay $0x4  }
0x8e: {  	v6 =	vadd.s32 $0xFFFFFFFF, v7  }
0x8f: {  	vm0 =	vgt.s32 v7, $0x0;
	vm1 =	vge.s32 v6, v0;
	v7 =	vsub.s32 v6, v0;
	v8, _, _ =	vpop (xrf0)  }
0x90: {  	vm0 =	vmand vm0, vm1;
	vm1 =	vlt.s32 v6, v1;
	(v2sf) =	vpush v8, $0xF  }
0x91: {  	v6 =	vshll.u32 v7, $0x7;
	vm0 =	vmand vm1, vm0  }
0x92: {  	v7 =	vsel vm0, $0x1, v3  }
0x93: {  	(xrf0) =	vadd.scan.msk.s32 $0xffff, v7;
	_ =	sdelay $0x5  }
0x94: {  	v7, _, _ =	vpop (xrf0)  }
0x95: {  	(v2sf) =	vpush v7, $0xF  }
0x96: {  	s25 =	sadd.s32 $0x30, s21  }
0x97: {  	v7 =	vmov s25  }
0x98: {  	v7 =	vshra.s32 v7, $0x6  }
0x99: {  	v7 =	vbroadcast v7, $0x0  }
0x9a: {  	s25 =	spop (v2sf)  }
0x9b: {  	v6 =	vadd.s32 v7, v6;
	s24 =	sadd.s32 s24, s25  }
0x9c: {  	s22 =	sadd.s32 $0x40, s22;
	[tilespmem:s24+$0x2000] =	vst.msk vm0, v6  }
0x9d: {  	v6 =	vld [tilespmem:s22+$0xFFFFFFE0];
	_ =	sdelay $0x2  }
.Ltmp3:
0x9e: {  	s21 =	sadd.s32 $0x40, s21;
	(pc) =	sbr.rel @p0 .LBB2_4-.Ltmp3, $4  }
0x9f: {  	v7 =	vmov s21  }
0xa0: {  	v8 =	vadd.s32 $0xFFFFFFFF, v6;
	vm0 =	vgt.s32 v6, $0x0;
	v6 =	vshra.s32 v7, $0x6  }
0xa1: {  	vm1 =	vge.s32 v8, v0;
	v6 =	vbroadcast v6, $0x0;
	v7 =	vsub.s32 v8, v0  }
0xa2: {  	vm0 =	vmand vm0, vm1;
	vm1 =	vlt.s32 v8, v1;
	v7 =	vshll.u32 v7, $0x7;
	s25 =	spop (v2sf)  }
0xa3: {  	vm0 =	vmand vm1, vm0;
	v6 =	vadd.s32 v6, v7;
	s23 =	sadd.s32 s24, s25  }
0xa4: {  	[tilespmem:s23+$0x2000] =	vst.msk vm0, v6;
	v6 =	vsel vm0, $0x1, v3  }
0xa5: {  	v7 =	vld [tilespmem:s22+$0xFFFFFFF0];
	(xrf0) =	vadd.scan.msk.s32 $0xffff, v6;
	_ =	sdelay $0x4  }
0xa6: {  	v6 =	vadd.s32 $0xFFFFFFFF, v7  }
0xa7: {  	vm7 =	vgt.s32 v7, $0x0;
	vm8 =	vge.s32 v6, v0;
	v7, _, _ =	vpop (xrf0)  }
0xa8: {  	vm9 =	vlt.s32 v6, v1;
	vm0 =	vmand vm7, vm8;
	(v2sf) =	vpush v7, $0xF  }
0xa9: {  	vm0 =	vmand vm9, vm0  }
0xaa: {  	v7 =	vsel vm0, $0x1, v3  }
0xab: {  	(xrf0) =	vadd.scan.msk.s32 $0xffff, v7;
	_ =	sdelay $0x5  }
0xac: {  	v7, _, _ =	vpop (xrf0)  }
0xad: {  	(v2sf) =	vpush v7, $0xF  }
0xae: {  	s31 =	sadd.s32 $0x10, s21  }
0xaf: {  	v7 =	vmov s31  }
0xb0: {  	v7 =	vshra.s32 v7, $0x6  }
0xb1: {  	v6 =	vsub.s32 v6, v0;
	v7 =	vbroadcast v7, $0x0  }
0xb2: {  	v6 =	vshll.u32 v6, $0x7;
	s0 =	spop (v2sf)  }
0xb3: {  	v6 =	vadd.s32 v7, v6;
	s23 =	sadd.s32 s23, s0  }
0xb4: {  	[tilespmem:s23+$0x2000] =	vst.msk vm0, v6  }
0xb5: {  	v6 =	vld [tilespmem:s22+$0x0];
	_ =	sdelay $0x2  }
0xb6: {  	s25 =	sadd.s32 $0x20, s21  }
0xb7: {  	v7 =	vmov s25  }
0xb8: {  	v8 =	vadd.s32 $0xFFFFFFFF, v6;
	vm10 =	vgt.s32 v6, $0x0;
	v6 =	vshra.s32 v7, $0x6  }
0xb9: {  	vm11 =	vge.s32 v8, v0;
	v6 =	vbroadcast v6, $0x0;
	v7 =	vsub.s32 v8, v0  }
0xba: {  	vm12 =	vlt.s32 v8, v1;
	vm0 =	vmand vm10, vm11;
	v7 =	vshll.u32 v7, $0x7;
	s26 =	spop (v2sf)  }
0xbb: {  	s23 =	sadd.s32 s23, s26;
	vm0 =	vmand vm12, vm0;
	v6 =	vadd.s32 v6, v7  }
0xbc: {  	[tilespmem:s23+$0x2000] =	vst.msk vm0, v6  }
0xbd: {  	v6 =	vld [tilespmem:s22+$0x10];
	_ =	sdelay $0x4  }
0xbe: {  	v7 =	vadd.s32 $0xFFFFFFFF, v6  }
0xbf: {  	vm13 =	vgt.s32 v6, $0x0;
	vm2 =	vge.s32 v7, v0  }
0xc0: {  	vm14 =	vlt.s32 v7, v1;
	vm1 =	vmand vm13, vm2  }
0xc1: {  	v6 =	vsel vm0, $0x1, v3;
	vm15 =	vmand vm14, vm1  }
0xc2: {  	(xrf0) =	vadd.scan.msk.s32 $0xffff, v6;
	v6 =	vsel vm15, $0x1, v3  }
0xc3: {  	(xrf0) =	vadd.scan.msk.s32 $0xffff, v6;
	_ =	sdelay $0x4  }
0xc4: {  	v6, _, _ =	vpop (xrf0)  }
0xc5: {  	(v2sf) =	vpush v6, $0xF;
	v6, _, _ =	vpop (xrf0)  }
0xc6: {  	(v2sf) =	vpush v6, $0xF;
	_ =	sdelay $0xd  }
0xc7: {  	s29 =	spop (v2sf)  }
0xc8: {  	s30 =	sadd.s32 s23, s29;
	s31 =	spop (v2sf)  }
0xc9: {  	s23 =	sadd.s32 s30, s31  }
0xca: {  	s28 =	sadd.s32 $0x30, s21;
	s21 =	sadd.s32 $0xF, s23  }
0xcb: {  	v6 =	vmov s28;
	s21 =	sshra.s32 s21, $0x4  }
0xcc: {  	v6 =	vshra.s32 v6, $0x6;
	p1 =	slt.s32 s21, $0x1  }
.Ltmp4:
0xcd: {  	v7 =	vsub.s32 v7, v0;
	v6 =	vbroadcast v6, $0x0;
	(pc) =	sbr.rel @p1 .LBB2_12-.Ltmp4, $4  }
0xce: {  	v7 =	vshll.u32 v7, $0x7  }
0xcf: {  	v6 =	vadd.s32 v6, v7  }
0xd0: {  	[tilespmem:s30+$0x2000] =	vst.msk vm15, v6  }
0xd1: {  	s22 =	simm.s32 $0x2000;
	[tilespmem:s23+$0x2000] =	vst v4;
	s23 =	simm.s32 $0x0  }
0xd2: {  	p2 =	sne.s32 s21, $0x1  }
.Ltmp5:
0xd3: {  	_ = 	snop;
	(pc) =	sbr.rel @!p2 .LBB2_7-.Ltmp5, $2  }
0xd4: {  	_ =	sdelay $0x2  }
0xd5: {  	v6 =	vld [tilespmem:s22+$0x0];
	s25 =	sadd.s32 $0xFFFFFFFF, s21;
	p0 =	por $0x0, $0x0  }
0xd6: {  	_ =	sdelay $0x3  }
0xd7: {  	vm0 =	vlt.u32 v6, $0x6400  }
0xd8: {  	v7 =	vsel vm0, $0x1, v3  }
0xd9: {  	(xrf0) =	vadd.scan.msk.s32 $0xffff, v7;
	_ =	sdelay $0x3  }
0xda: {  	p2 =	sne.s32 s25, $0x1  }
.Ltmp6:
0xdb: {  	_ = 	snop;
	(pc) =	sbr.rel @!p2 .LBB2_9-.Ltmp6, $4  }
0xdc: {  	v7, _, _ =	vpop (xrf0)  }
0xdd: {  	[tilespmem:v6+s13+$0x0] =	vst.idx.msk vm0, v5;
	(v2sf) =	vpush v7, $0xF  }
0xde: {  	s24 =	sadd.s32 $0x10, s22;
	[tilespmem:s23+$0x4080] =	vst.msk vm0, v6  }
0xdf: {  	s25 =	sadd.s32 $0xFFFFFFFF, s25;
	p0 =	por $0x1, $0x1;
	s22 =	simm.s32 $0x0;
	v6 =	vld [tilespmem:s24+$0x0]  }
.LBB2_10:
0xe0: {  	p2 =	sne.s32 s25, $0x1;
	_ =	sdelay $0x3  }
0xe1: {  	vm0 =	vlt.u32 v6, $0x6400  }
0xe2: {  	v7 =	vsel vm0, $0x1, v3  }
0xe3: {  	(xrf0) =	vadd.scan.msk.s32 $0xffff, v7;
	_ =	sdelay $0x3  }
0xe4: {  	[tilespmem:v6+s13+$0x0] =	vst.idx.msk vm0, v5  }
.Ltmp7:
0xe5: {  	(pc) =	sbr.rel @p2 .LBB2_10-.Ltmp7, $4  }
0xe6: {  	v7, _, _ =	vpop (xrf0);
	s26 =	spop (v2sf)  }
0xe7: {  	(v2sf) =	vpush v7, $0xF;
	s22 =	sadd.s32 s22, s26  }
0xe8: {  	s24 =	sadd.s32 $0x10, s24;
	[tilespmem:s22+$0x4080] =	vst.msk vm0, v6  }
0xe9: {  	s25 =	sadd.s32 $0xFFFFFFFF, s25;
	v6 =	vld [tilespmem:s24+$0x0]  }
.LBB2_11:
0xea: {  	_ =	sdelay $0x3  }
0xeb: {  	vm0 =	vlt.u32 v6, $0x6400  }
0xec: {  	v7 =	vsel vm0, $0x1, v3  }
0xed: {  	(xrf0) =	vadd.scan.msk.s32 $0xffff, v7;
	_ =	sdelay $0x5  }
0xee: {  	v7, _, _ =	vpop (xrf0)  }
0xef: {  	(v2sf) =	vpush v7, $0xF;
	_ =	sdelay $0xc  }
0xf0: {  	s24 =	spop @p0 (v2sf)  }
0xf1: {  	s22 =	sadd.s32 @p0 s22, s24  }
0xf2: {  	[tilespmem:v6+s13+$0x0] =	vst.idx.msk vm0, v5;
	s23 =	smov.u32 @p0 s22;
	s31 =	spop (v2sf)  }
0xf3: {  	[tilespmem:s23+$0x4080] =	vst.msk vm0, v6;
	s23 =	sadd.s32 s23, s31  }
.LBB2_12:
0xf4: {  	[tilespmem:s23+$0x4080] =	vst v4;
	s22 =	simm.s32 $0x10640  }
0xf5: {  	[hbm4b:s5+s14] =	stream.strided.scatter [tilespmem:s13], [sflag:$0x1], $0x6400, s15, s14, $0x38;
	[tilespmem:$0x1CE00] =	vst v63  }
0xf6: {  	[tilespmem:s22+$0xFFFFFFC0] =	vst v2  }
0xf7: {  	[tilespmem:s22+$0x30] =	vst v2  }
0xf8: {  	[tilespmem:s22+$0x20] =	vst v2  }
0xf9: {  	[tilespmem:s22+$0x10] =	vst v2  }
0xfa: {  	[tilespmem:s22+$0x0] =	vst v2  }
0xfb: {  	[tilespmem:s22+$0xFFFFFFF0] =	vst v2  }
0xfc: {  	s24 =	simm.s32 $0x0;
	[tilespmem:s22+$0xFFFFFFE0] =	vst v2  }
.LBB2_13:
0xfd: {  	s24 =	sadd.s32 $0x8, s24;
	[tilespmem:s22+$0xFFFFFFD0] =	vst v2;
	s22 =	sadd.s32 $0x80, s22  }
0xfe: {  	[tilespmem:s22+$0xFFFFFFC0] =	vst v2;
	p0 =	slt.u32 s24, $0x638  }
0xff: {  	[tilespmem:s22+$0x30] =	vst v2  }
.Ltmp8:
0x100: {  	[tilespmem:s22+$0x20] =	vst v2;
	(pc) =	sbr.rel @p0 .LBB2_13-.Ltmp8, $4  }
0x101: {  	[tilespmem:s22+$0x10] =	vst v2  }
0x102: {  	[tilespmem:s22+$0x0] =	vst v2  }
0x103: {  	[tilespmem:s22+$0xFFFFFFF0] =	vst v2  }
0x104: {  	[tilespmem:s22+$0xFFFFFFE0] =	vst v2  }
0x105: {  	p0 =	sgt.s32 s21, $0x0  }
.Ltmp9:
0x106: {  	_ = 	snop;
	(pc) =	sbr.rel @!p0 .LBB2_21-.Ltmp9, $2  }
0x107: {  	_ =	sdelay $0x2  }
0x108: {  	[tilespmem:s22+$0xFFFFFFD0] =	vst v2;
	s22 =	simm.s32 $0x0;
	s24 =	simm.s32 $0x2000  }
0x109: {  	p3 =	sne.s32 s21, $0x1  }
.Ltmp10:
0x10a: {  	_ = 	snop;
	(pc) =	sbr.rel @!p3 .LBB2_16-.Ltmp10, $2  }
0x10b: {  	_ =	sdelay $0x2  }
0x10c: {  	v6 =	vld [tilespmem:s24+$0x0];
	s26 =	sadd.s32 $0xFFFFFFFF, s21;
	p2 =	por $0x0, $0x0  }
0x10d: {  	_ =	sdelay $0x3  }
0x10e: {  	v6 =	vadd.s32 $0xFFFF9C00, v6  }
0x10f: {  	vm0 =	vlt.u32 v6, $0x6400  }
0x110: {  	v7 =	vsel vm0, $0x1, v3  }
0x111: {  	(xrf0) =	vadd.scan.msk.s32 $0xffff, v7;
	_ =	sdelay $0x3  }
0x112: {  	p3 =	sne.s32 s26, $0x1  }
.Ltmp11:
0x113: {  	_ = 	snop;
	(pc) =	sbr.rel @!p3 .LBB2_18-.Ltmp11, $4  }
0x114: {  	v7, _, _ =	vpop (xrf0)  }
0x115: {  	[tilespmem:v6+s16+$0x0] =	vst.idx.msk vm0, v5;
	(v2sf) =	vpush v7, $0xF  }
0x116: {  	s25 =	sadd.s32 $0x10, s24;
	[tilespmem:s22+$0x6100] =	vst.msk vm0, v6  }
0x117: {  	s26 =	sadd.s32 $0xFFFFFFFF, s26;
	p2 =	por $0x1, $0x1;
	s24 =	simm.s32 $0x0;
	v6 =	vld [tilespmem:s25+$0x0]  }
.LBB2_19:
0x118: {  	p3 =	sne.s32 s26, $0x1;
	_ =	sdelay $0x3  }
0x119: {  	v6 =	vadd.s32 $0xFFFF9C00, v6  }
0x11a: {  	vm0 =	vlt.u32 v6, $0x6400  }
0x11b: {  	v7 =	vsel vm0, $0x1, v3  }
0x11c: {  	(xrf0) =	vadd.scan.msk.s32 $0xffff, v7;
	_ =	sdelay $0x3  }
0x11d: {  	[tilespmem:v6+s16+$0x0] =	vst.idx.msk vm0, v5  }
.Ltmp12:
0x11e: {  	s28 =	spop (v2sf);
	(pc) =	sbr.rel @p3 .LBB2_19-.Ltmp12, $4  }
0x11f: {  	v7, _, _ =	vpop (xrf0);
	s24 =	sadd.s32 s24, s28  }
0x120: {  	[tilespmem:s24+$0x6100] =	vst.msk vm0, v6;
	(v2sf) =	vpush v7, $0xF  }
0x121: {  	s25 =	sadd.s32 $0x10, s25  }
0x122: {  	s26 =	sadd.s32 $0xFFFFFFFF, s26;
	v6 =	vld [tilespmem:s25+$0x0]  }
.LBB2_20:
0x123: {  	_ =	sdelay $0x3  }
0x124: {  	v6 =	vadd.s32 $0xFFFF9C00, v6  }
0x125: {  	vm0 =	vlt.u32 v6, $0x6400  }
0x126: {  	v7 =	vsel vm0, $0x1, v3  }
0x127: {  	(xrf0) =	vadd.scan.msk.s32 $0xffff, v7;
	_ =	sdelay $0x5  }
0x128: {  	v7, _, _ =	vpop (xrf0)  }
0x129: {  	(v2sf) =	vpush v7, $0xF;
	_ =	sdelay $0xc  }
0x12a: {  	s25 =	spop @p2 (v2sf)  }
0x12b: {  	s24 =	sadd.s32 @p2 s24, s25  }
0x12c: {  	[tilespmem:v6+s16+$0x0] =	vst.idx.msk vm0, v5;
	s22 =	smov.u32 @p2 s24;
	s31 =	spop (v2sf)  }
0x12d: {  	[tilespmem:s22+$0x6100] =	vst.msk vm0, v6;
	s22 =	sadd.s32 s22, s31  }
.LBB2_21:
0x12e: {  	[tilespmem:s22+$0x6100] =	vst v4;
	s24 =	simm.s32 $0x16A40  }
0x12f: {  	[hbm4b:s6+s14] =	stream.strided.scatter [tilespmem:s16], [sflag:$0x2], $0x6400, s15, s14, $0x38;
	[tilespmem:$0x1CE00] =	vst v63  }
0x130: {  	[tilespmem:s24+$0xFFFFFFC0] =	vst v2  }
0x131: {  	[tilespmem:s24+$0x30] =	vst v2  }
0x132: {  	[tilespmem:s24+$0x20] =	vst v2  }
0x133: {  	[tilespmem:s24+$0x10] =	vst v2  }
0x134: {  	[tilespmem:s24+$0x0] =	vst v2  }
0x135: {  	[tilespmem:s24+$0xFFFFFFF0] =	vst v2  }
0x136: {  	s25 =	simm.s32 $0x0;
	[tilespmem:s24+$0xFFFFFFE0] =	vst v2  }
.LBB2_22:
0x137: {  	s25 =	sadd.s32 $0x8, s25;
	[tilespmem:s24+$0xFFFFFFD0] =	vst v2;
	s24 =	sadd.s32 $0x80, s24  }
0x138: {  	[tilespmem:s24+$0xFFFFFFC0] =	vst v2;
	p2 =	slt.u32 s25, $0x638  }
0x139: {  	[tilespmem:s24+$0x30] =	vst v2  }
.Ltmp13:
0x13a: {  	[tilespmem:s24+$0x20] =	vst v2;
	(pc) =	sbr.rel @p2 .LBB2_22-.Ltmp13, $4  }
0x13b: {  	[tilespmem:s24+$0x10] =	vst v2  }
0x13c: {  	[tilespmem:s24+$0x0] =	vst v2  }
0x13d: {  	[tilespmem:s24+$0xFFFFFFF0] =	vst v2  }
0x13e: {  	[tilespmem:s24+$0xFFFFFFE0] =	vst v2  }
.Ltmp14:
0x13f: {  	(pc) =	sbr.rel @!p0 .LBB2_30-.Ltmp14, $2  }
0x140: {  	_ =	sdelay $0x2  }
0x141: {  	[tilespmem:s24+$0xFFFFFFD0] =	vst v2;
	s25 =	simm.s32 $0x0;
	s24 =	simm.s32 $0x2000  }
0x142: {  	p3 =	sne.s32 s21, $0x1  }
.Ltmp15:
0x143: {  	_ = 	snop;
	(pc) =	sbr.rel @!p3 .LBB2_25-.Ltmp15, $2  }
0x144: {  	_ =	sdelay $0x2  }
0x145: {  	v6 =	vld [tilespmem:s24+$0x0];
	s28 =	sadd.s32 $0xFFFFFFFF, s21;
	p2 =	por $0x0, $0x0  }
0x146: {  	_ =	sdelay $0x3  }
0x147: {  	v6 =	vadd.s32 $0xFFFF3800, v6  }
0x148: {  	vm0 =	vlt.u32 v6, $0x6400  }
0x149: {  	v7 =	vsel vm0, $0x1, v3  }
0x14a: {  	(xrf0) =	vadd.scan.msk.s32 $0xffff, v7;
	_ =	sdelay $0x3  }
0x14b: {  	p3 =	sne.s32 s28, $0x1  }
.Ltmp16:
0x14c: {  	_ = 	snop;
	(pc) =	sbr.rel @!p3 .LBB2_27-.Ltmp16, $4  }
0x14d: {  	v7, _, _ =	vpop (xrf0)  }
0x14e: {  	[tilespmem:v6+s17+$0x0] =	vst.idx.msk vm0, v5;
	(v2sf) =	vpush v7, $0xF  }
0x14f: {  	s26 =	sadd.s32 $0x10, s24;
	[tilespmem:s25+$0x8180] =	vst.msk vm0, v6  }
0x150: {  	s28 =	sadd.s32 $0xFFFFFFFF, s28;
	p2 =	por $0x1, $0x1;
	s24 =	simm.s32 $0x0;
	v6 =	vld [tilespmem:s26+$0x0]  }
.LBB2_28:
0x151: {  	p3 =	sne.s32 s28, $0x1;
	_ =	sdelay $0x3  }
0x152: {  	v6 =	vadd.s32 $0xFFFF3800, v6  }
0x153: {  	vm0 =	vlt.u32 v6, $0x6400  }
0x154: {  	v7 =	vsel vm0, $0x1, v3  }
0x155: {  	(xrf0) =	vadd.scan.msk.s32 $0xffff, v7;
	_ =	sdelay $0x3  }
0x156: {  	[tilespmem:v6+s17+$0x0] =	vst.idx.msk vm0, v5  }
.Ltmp17:
0x157: {  	s29 =	spop (v2sf);
	(pc) =	sbr.rel @p3 .LBB2_28-.Ltmp17, $4  }
0x158: {  	v7, _, _ =	vpop (xrf0);
	s24 =	sadd.s32 s24, s29  }
0x159: {  	[tilespmem:s24+$0x8180] =	vst.msk vm0, v6;
	(v2sf) =	vpush v7, $0xF  }
0x15a: {  	s26 =	sadd.s32 $0x10, s26  }
0x15b: {  	s28 =	sadd.s32 $0xFFFFFFFF, s28;
	v6 =	vld [tilespmem:s26+$0x0]  }
.LBB2_29:
0x15c: {  	_ =	sdelay $0x3  }
0x15d: {  	v6 =	vadd.s32 $0xFFFF3800, v6  }
0x15e: {  	vm0 =	vlt.u32 v6, $0x6400  }
0x15f: {  	v7 =	vsel vm0, $0x1, v3  }
0x160: {  	(xrf0) =	vadd.scan.msk.s32 $0xffff, v7;
	_ =	sdelay $0x5  }
0x161: {  	v7, _, _ =	vpop (xrf0)  }
0x162: {  	(v2sf) =	vpush v7, $0xF;
	_ =	sdelay $0xc  }
0x163: {  	s26 =	spop @p2 (v2sf)  }
0x164: {  	s24 =	sadd.s32 @p2 s24, s26  }
0x165: {  	[tilespmem:v6+s17+$0x0] =	vst.idx.msk vm0, v5;
	s25 =	smov.u32 @p2 s24;
	s31 =	spop (v2sf)  }
0x166: {  	[tilespmem:s25+$0x8180] =	vst.msk vm0, v6;
	s25 =	sadd.s32 s25, s31  }
.LBB2_30:
.Ltmp18:
0x167: {  	(pc) =	sbr.rel .LBB2_31-.Ltmp18, $3  }
0x168: {  	_ =	sdelay $0x1  }
0x169: {  	[tilespmem:s25+$0x8180] =	vst v4;
	s24 =	simm.s32 $0x1  }
0x16a: {  	[hbm4b:s7+s14] =	stream.strided.scatter [tilespmem:s17], [sflag:$0x3], $0x6400, s15, s14, $0x38;
	[tilespmem:$0x1CE00] =	vst v63  }
.LBB2_60:
0x16b: {  	s25 =	simm.s32 $0x0  }
.LBB2_67:
0x16c: {  	s0 =	smul.u32 $0xC8, s26;
	s24 =	sadd.s32 $0x1, s24  }
0x16d: {  	p2 =	sne.s32 s24, $0x29  }
.Ltmp19:
0x16e: {  	s0 =	sadd.s32 s8, s0;
	(pc) =	sbr.rel @!p2 .LBB2_68-.Ltmp19, $4  }
0x16f: {  	s0 =	sshll.u32 s0, $0x7  }
0x170: {  	s0 =	sand.u32 $0x1FFFFF80, s0  }
0x171: {  	[tilespmem:s25+$0x8180] =	vst v4;
	s0 =	sadd.s32 s2, s0  }
0x172: {  	[hbm4b:s0+s14] =	stream.strided.scatter [tilespmem:s17], [sflag:$0x3], $0x6400, s15, s14, $0x38;
	[tilespmem:$0x1CE00] =	vst v63  }
.LBB2_31:
0x173: {  	s23 =	sadd.s32 $0xF, s23  }
0x174: {  	s26 =	sshra.s32 s23, $0x4  }
0x175: {  	p2 =	slt.s32 s26, $0x1  }
.Ltmp20:
0x176: {  	_ = 	snop;
	(pc) =	sbr.rel @p2 .LBB2_35-.Ltmp20, $4  }
0x177: {  	_ = 	snop  }
0x178: {  	_ =	swait.ge [sflag:s12], $0x6400  }
0x179: {  	[sflag:s12] =	ssyncset.done $0x0  }
0x17a: {  	s23 =	simm.s32 $0x4080;
	[sflag:s12] =	ssyncadd.s32 $0xFFFF9C00  }
0x17b: {  	p2 =	sne.s32 s26, $0x1  }
.Ltmp21:
0x17c: {  	_ = 	snop;
	(pc) =	sbr.rel @!p2 .LBB2_34-.Ltmp21, $2  }
0x17d: {  	_ =	sdelay $0x2  }
0x17e: {  	v6 =	vld [tilespmem:s23+$0x0];
	s26 =	sadd.s32 $0xFFFFFFFF, s26  }
.LBB2_33:
0x17f: {  	p2 =	sne.s32 s26, $0x1;
	_ =	sdelay $0x3  }
0x180: {  	vm0 =	vlt.s32 v6, $0x6400;
	_ =	sdelay $0x2  }
.Ltmp22:
0x181: {  	(pc) =	sbr.rel @p2 .LBB2_33-.Ltmp22, $3  }
0x182: {  	_ =	sdelay $0x1  }
0x183: {  	s23 =	sadd.s32 $0x10, s23;
	[tilespmem:v6+s13+$0x0] =	vst.idx.msk vm0, v2  }
0x184: {  	s26 =	sadd.s32 $0xFFFFFFFF, s26;
	v6 =	vld [tilespmem:s23+$0x0]  }
.LBB2_34:
0x185: {  	_ =	sdelay $0x3  }
0x186: {  	vm0 =	vlt.s32 v6, $0x6400;
	_ =	sdelay $0x5  }
0x187: {  	[tilespmem:v6+s13+$0x0] =	vst.idx.msk vm0, v2  }
.LBB2_35:
.Ltmp23:
0x188: {  	(pc) =	sbr.rel @p1 .LBB2_36-.Ltmp23, $2  }
0x189: {  	_ =	sdelay $0x2  }
0x18a: {  	p2 =	sne.s32 s21, $0x1  }
.Ltmp24:
0x18b: {  	(pc) =	sbr.rel @!p2 .LBB2_38-.Ltmp24, $4  }
0x18c: {  	_ = 	snop  }
0x18d: {  	s23 =	smul.u32 $0xFFFED400, s24  }
0x18e: {  	s26 =	simm.s32 $0x2000  }
0x18f: {  	p3 =	por $0x0, $0x0;
	v7 =	vld [tilespmem:s26+$0x0];
	s26 =	sadd.s32 $0xFFFFFFFF, s21;
	v6 =	vmov s23;
	s23 =	simm.s32 $0x0  }
0x190: {  	_ =	sdelay $0x3  }
0x191: {  	v7 =	vadd.s32 v6, v7  }
0x192: {  	vm0 =	vlt.u32 v7, $0x6400  }
0x193: {  	v8 =	vsel vm0, $0x1, v3  }
0x194: {  	(xrf0) =	vadd.scan.msk.s32 $0xffff, v8;
	_ =	sdelay $0x3  }
0x195: {  	p4 =	sne.s32 s26, $0x1  }
.Ltmp25:
0x196: {  	_ = 	snop;
	(pc) =	sbr.rel @!p4 .LBB2_40-.Ltmp25, $4  }
0x197: {  	v8, _, _ =	vpop (xrf0)  }
0x198: {  	[tilespmem:v7+s13+$0x0] =	vst.idx.msk vm0, v5;
	(v2sf) =	vpush v8, $0xF  }
0x199: {  	s28 =	simm.s32 $0x2010;
	[tilespmem:s23+$0x4080] =	vst.msk vm0, v7  }
0x19a: {  	s29 =	sadd.s32 $0xFFFFFFFF, s26;
	p3 =	por $0x1, $0x1;
	s26 =	simm.s32 $0x0;
	v7 =	vld [tilespmem:s28+$0x0]  }
.LBB2_41:
0x19b: {  	p4 =	sne.s32 s29, $0x1;
	_ =	sdelay $0x3  }
0x19c: {  	v7 =	vadd.s32 v6, v7  }
0x19d: {  	vm0 =	vlt.u32 v7, $0x6400  }
0x19e: {  	v8 =	vsel vm0, $0x1, v3  }
0x19f: {  	(xrf0) =	vadd.scan.msk.s32 $0xffff, v8;
	_ =	sdelay $0x3  }
0x1a0: {  	[tilespmem:v7+s13+$0x0] =	vst.idx.msk vm0, v5  }
.Ltmp26:
0x1a1: {  	s30 =	spop (v2sf);
	(pc) =	sbr.rel @p4 .LBB2_41-.Ltmp26, $4  }
0x1a2: {  	v8, _, _ =	vpop (xrf0);
	s26 =	sadd.s32 s26, s30  }
0x1a3: {  	[tilespmem:s26+$0x4080] =	vst.msk vm0, v7;
	(v2sf) =	vpush v8, $0xF  }
0x1a4: {  	s28 =	sadd.s32 $0x10, s28  }
0x1a5: {  	s29 =	sadd.s32 $0xFFFFFFFF, s29;
	v7 =	vld [tilespmem:s28+$0x0]  }
.LBB2_42:
0x1a6: {  	_ =	sdelay $0x3  }
0x1a7: {  	v6 =	vadd.s32 v6, v7  }
0x1a8: {  	vm0 =	vlt.u32 v6, $0x6400  }
0x1a9: {  	v7 =	vsel vm0, $0x1, v3  }
0x1aa: {  	(xrf0) =	vadd.scan.msk.s32 $0xffff, v7;
	_ =	sdelay $0x5  }
0x1ab: {  	v7, _, _ =	vpop (xrf0)  }
0x1ac: {  	(v2sf) =	vpush v7, $0xF;
	_ =	sdelay $0xb  }
.Ltmp27:
0x1ad: {  	_ = 	snop;
	(pc) =	sbr.rel .LBB2_43-.Ltmp27, $4  }
0x1ae: {  	s28 =	spop @p3 (v2sf)  }
0x1af: {  	s26 =	sadd.s32 @p3 s26, s28  }
0x1b0: {  	[tilespmem:v6+s13+$0x0] =	vst.idx.msk vm0, v5;
	s23 =	smov.u32 @p3 s26;
	s31 =	spop (v2sf)  }
0x1b1: {  	[tilespmem:s23+$0x4080] =	vst.msk vm0, v6;
	s23 =	sadd.s32 s23, s31  }
.LBB2_36:
0x1b2: {  	s23 =	simm.s32 $0x0  }
.LBB2_43:
0x1b3: {  	s26 =	smul.u32 $0x258, s24;
	_ =	sdelay $0x1  }
0x1b4: {  	s26 =	sadd.s32 s8, s26  }
0x1b5: {  	s26 =	sshll.u32 s26, $0x7  }
0x1b6: {  	s26 =	sand.u32 $0x1FFFFF80, s26  }
0x1b7: {  	[tilespmem:s23+$0x4080] =	vst v4;
	s22 =	sadd.s32 $0xF, s22;
	s26 =	sadd.s32 s2, s26  }
0x1b8: {  	[hbm4b:s26+s14] =	stream.strided.scatter [tilespmem:s13], [sflag:$0x1], $0x6400, s15, s14, $0x38;
	[tilespmem:$0x1CE00] =	vst v63  }
0x1b9: {  	s26 =	sshra.s32 s22, $0x4  }
0x1ba: {  	p3 =	slt.s32 s26, $0x1  }
.Ltmp28:
0x1bb: {  	_ = 	snop;
	(pc) =	sbr.rel @p3 .LBB2_47-.Ltmp28, $4  }
0x1bc: {  	_ = 	snop  }
0x1bd: {  	_ =	swait.ge [sflag:s18], $0x6400  }
0x1be: {  	[sflag:s18] =	ssyncset.done $0x0  }
0x1bf: {  	s22 =	simm.s32 $0x6100;
	[sflag:s18] =	ssyncadd.s32 $0xFFFF9C00  }
0x1c0: {  	p3 =	sne.s32 s26, $0x1  }
.Ltmp29:
0x1c1: {  	_ = 	snop;
	(pc) =	sbr.rel @!p3 .LBB2_46-.Ltmp29, $2  }
0x1c2: {  	_ =	sdelay $0x2  }
0x1c3: {  	v6 =	vld [tilespmem:s22+$0x0];
	s26 =	sadd.s32 $0xFFFFFFFF, s26  }
.LBB2_45:
0x1c4: {  	p3 =	sne.s32 s26, $0x1;
	_ =	sdelay $0x3  }
0x1c5: {  	vm0 =	vlt.s32 v6, $0x6400;
	_ =	sdelay $0x2  }
.Ltmp30:
0x1c6: {  	(pc) =	sbr.rel @p3 .LBB2_45-.Ltmp30, $3  }
0x1c7: {  	_ =	sdelay $0x1  }
0x1c8: {  	s22 =	sadd.s32 $0x10, s22;
	[tilespmem:v6+s16+$0x0] =	vst.idx.msk vm0, v2  }
0x1c9: {  	s26 =	sadd.s32 $0xFFFFFFFF, s26;
	v6 =	vld [tilespmem:s22+$0x0]  }
.LBB2_46:
0x1ca: {  	_ =	sdelay $0x3  }
0x1cb: {  	vm0 =	vlt.s32 v6, $0x6400;
	_ =	sdelay $0x5  }
0x1cc: {  	[tilespmem:v6+s16+$0x0] =	vst.idx.msk vm0, v2  }
.LBB2_47:
.Ltmp31:
0x1cd: {  	(pc) =	sbr.rel @p1 .LBB2_48-.Ltmp31, $3  }
0x1ce: {  	_ = 	snop  }
0x1cf: {  	s26 =	smul.u32 $0x3, s24;
	_ =	sdelay $0x1  }
0x1d0: {  	s28 =	sadd.s32 $0x1, s26  }
.Ltmp32:
0x1d1: {  	(pc) =	sbr.rel @!p2 .LBB2_50-.Ltmp32, $4  }
0x1d2: {  	_ = 	snop  }
0x1d3: {  	s22 =	smul.u32 $0xFFFF9C00, s28  }
0x1d4: {  	s29 =	simm.s32 $0x2000  }
0x1d5: {  	p3 =	por $0x0, $0x0;
	v7 =	vld [tilespmem:s29+$0x0];
	s29 =	sadd.s32 $0xFFFFFFFF, s21;
	v6 =	vmov s22;
	s22 =	simm.s32 $0x0  }
0x1d6: {  	_ =	sdelay $0x3  }
0x1d7: {  	v7 =	vadd.s32 v6, v7  }
0x1d8: {  	vm0 =	vlt.u32 v7, $0x6400  }
0x1d9: {  	v8 =	vsel vm0, $0x1, v3  }
0x1da: {  	(xrf0) =	vadd.scan.msk.s32 $0xffff, v8;
	_ =	sdelay $0x3  }
0x1db: {  	p4 =	sne.s32 s29, $0x1  }
.Ltmp33:
0x1dc: {  	_ = 	snop;
	(pc) =	sbr.rel @!p4 .LBB2_52-.Ltmp33, $4  }
0x1dd: {  	v8, _, _ =	vpop (xrf0)  }
0x1de: {  	[tilespmem:v7+s16+$0x0] =	vst.idx.msk vm0, v5;
	(v2sf) =	vpush v8, $0xF  }
0x1df: {  	s30 =	simm.s32 $0x2010;
	[tilespmem:s22+$0x6100] =	vst.msk vm0, v7  }
0x1e0: {  	s31 =	sadd.s32 $0xFFFFFFFF, s29;
	p3 =	por $0x1, $0x1;
	s29 =	simm.s32 $0x0;
	v7 =	vld [tilespmem:s30+$0x0]  }
.LBB2_53:
0x1e1: {  	p4 =	sne.s32 s31, $0x1;
	_ =	sdelay $0x3  }
0x1e2: {  	v7 =	vadd.s32 v6, v7  }
0x1e3: {  	vm0 =	vlt.u32 v7, $0x6400  }
0x1e4: {  	v8 =	vsel vm0, $0x1, v3  }
0x1e5: {  	(xrf0) =	vadd.scan.msk.s32 $0xffff, v8;
	_ =	sdelay $0x3  }
0x1e6: {  	[tilespmem:v7+s16+$0x0] =	vst.idx.msk vm0, v5  }
.Ltmp34:
0x1e7: {  	s0 =	spop (v2sf);
	(pc) =	sbr.rel @p4 .LBB2_53-.Ltmp34, $4  }
0x1e8: {  	v8, _, _ =	vpop (xrf0);
	s29 =	sadd.s32 s29, s0  }
0x1e9: {  	[tilespmem:s29+$0x6100] =	vst.msk vm0, v7;
	(v2sf) =	vpush v8, $0xF  }
0x1ea: {  	s30 =	sadd.s32 $0x10, s30  }
0x1eb: {  	s31 =	sadd.s32 $0xFFFFFFFF, s31;
	v7 =	vld [tilespmem:s30+$0x0]  }
.LBB2_54:
0x1ec: {  	_ =	sdelay $0x3  }
0x1ed: {  	v6 =	vadd.s32 v6, v7  }
0x1ee: {  	vm0 =	vlt.u32 v6, $0x6400  }
0x1ef: {  	v7 =	vsel vm0, $0x1, v3  }
0x1f0: {  	(xrf0) =	vadd.scan.msk.s32 $0xffff, v7;
	_ =	sdelay $0x5  }
0x1f1: {  	v7, _, _ =	vpop (xrf0)  }
0x1f2: {  	(v2sf) =	vpush v7, $0xF;
	_ =	sdelay $0xb  }
.Ltmp35:
0x1f3: {  	_ = 	snop;
	(pc) =	sbr.rel .LBB2_55-.Ltmp35, $4  }
0x1f4: {  	s0 =	spop @p3 (v2sf)  }
0x1f5: {  	s0 =	sadd.s32 @p3 s29, s0  }
0x1f6: {  	[tilespmem:v6+s16+$0x0] =	vst.idx.msk vm0, v5;
	s22 =	smov.u32 @p3 s0;
	s31 =	spop (v2sf)  }
0x1f7: {  	[tilespmem:s22+$0x6100] =	vst.msk vm0, v6;
	s22 =	sadd.s32 s22, s31  }
.LBB2_48:
0x1f8: {  	s22 =	simm.s32 $0x0  }
.LBB2_55:
0x1f9: {  	s0 =	smul.u32 $0xC8, s28;
	_ =	sdelay $0x1  }
0x1fa: {  	s31 =	sadd.s32 $0xF, s25;
	s0 =	sadd.s32 s8, s0  }
0x1fb: {  	s28 =	sshra.s32 s31, $0x4;
	s0 =	sshll.u32 s0, $0x7  }
0x1fc: {  	p3 =	slt.s32 s28, $0x1;
	s0 =	sand.u32 $0x1FFFFF80, s0  }
.Ltmp36:
0x1fd: {  	[tilespmem:s22+$0x6100] =	vst v4;
	s0 =	sadd.s32 s2, s0;
	(pc) =	sbr.rel @p3 .LBB2_59-.Ltmp36, $4  }
0x1fe: {  	[hbm4b:s0+s14] =	stream.strided.scatter [tilespmem:s16], [sflag:$0x2], $0x6400, s15, s14, $0x38;
	[tilespmem:$0x1CE00] =	vst v63  }
0x1ff: {  	_ =	swait.ge [sflag:s19], $0x6400  }
0x200: {  	[sflag:s19] =	ssyncset.done $0x0  }
0x201: {  	s25 =	simm.s32 $0x8180;
	[sflag:s19] =	ssyncadd.s32 $0xFFFF9C00  }
0x202: {  	p3 =	sne.s32 s28, $0x1  }
.Ltmp37:
0x203: {  	_ = 	snop;
	(pc) =	sbr.rel @!p3 .LBB2_58-.Ltmp37, $2  }
0x204: {  	_ =	sdelay $0x2  }
0x205: {  	v6 =	vld [tilespmem:s25+$0x0];
	s28 =	sadd.s32 $0xFFFFFFFF, s28  }
.LBB2_57:
0x206: {  	p3 =	sne.s32 s28, $0x1;
	_ =	sdelay $0x3  }
0x207: {  	vm0 =	vlt.s32 v6, $0x6400;
	_ =	sdelay $0x2  }
.Ltmp38:
0x208: {  	(pc) =	sbr.rel @p3 .LBB2_57-.Ltmp38, $3  }
0x209: {  	_ =	sdelay $0x1  }
0x20a: {  	s25 =	sadd.s32 $0x10, s25;
	[tilespmem:v6+s17+$0x0] =	vst.idx.msk vm0, v2  }
0x20b: {  	s28 =	sadd.s32 $0xFFFFFFFF, s28;
	v6 =	vld [tilespmem:s25+$0x0]  }
.LBB2_58:
0x20c: {  	_ =	sdelay $0x3  }
0x20d: {  	vm0 =	vlt.s32 v6, $0x6400;
	_ =	sdelay $0x5  }
0x20e: {  	[tilespmem:v6+s17+$0x0] =	vst.idx.msk vm0, v2  }
.LBB2_59:
.Ltmp39:
0x20f: {  	(pc) =	sbr.rel @p1 .LBB2_60-.Ltmp39, $2  }
0x210: {  	_ =	sdelay $0x2  }
0x211: {  	s26 =	sadd.s32 $0x2, s26  }
.Ltmp40:
0x212: {  	(pc) =	sbr.rel @!p2 .LBB2_62-.Ltmp40, $4  }
0x213: {  	_ = 	snop  }
0x214: {  	s0 =	smul.u32 $0xFFFF9C00, s26  }
0x215: {  	s28 =	simm.s32 $0x2000  }
0x216: {  	s25 =	simm.s32 $0x0;
	p3 =	por $0x0, $0x0;
	v7 =	vld [tilespmem:s28+$0x0];
	s28 =	sadd.s32 $0xFFFFFFFF, s21;
	v6 =	vmov s0  }
0x217: {  	_ =	sdelay $0x3  }
0x218: {  	v7 =	vadd.s32 v6, v7  }
0x219: {  	vm0 =	vlt.u32 v7, $0x6400  }
0x21a: {  	v8 =	vsel vm0, $0x1, v3  }
0x21b: {  	(xrf0) =	vadd.scan.msk.s32 $0xffff, v8;
	_ =	sdelay $0x3  }
0x21c: {  	p2 =	sne.s32 s28, $0x1  }
.Ltmp41:
0x21d: {  	_ = 	snop;
	(pc) =	sbr.rel @!p2 .LBB2_64-.Ltmp41, $4  }
0x21e: {  	v8, _, _ =	vpop (xrf0)  }
0x21f: {  	[tilespmem:v7+s17+$0x0] =	vst.idx.msk vm0, v5;
	(v2sf) =	vpush v8, $0xF  }
0x220: {  	s29 =	simm.s32 $0x2010;
	[tilespmem:s25+$0x8180] =	vst.msk vm0, v7  }
0x221: {  	s30 =	sadd.s32 $0xFFFFFFFF, s28;
	p3 =	por $0x1, $0x1;
	s28 =	simm.s32 $0x0;
	v7 =	vld [tilespmem:s29+$0x0]  }
.LBB2_65:
0x222: {  	p2 =	sne.s32 s30, $0x1;
	_ =	sdelay $0x3  }
0x223: {  	v7 =	vadd.s32 v6, v7  }
0x224: {  	vm0 =	vlt.u32 v7, $0x6400  }
0x225: {  	v8 =	vsel vm0, $0x1, v3  }
0x226: {  	(xrf0) =	vadd.scan.msk.s32 $0xffff, v8;
	_ =	sdelay $0x3  }
0x227: {  	[tilespmem:v7+s17+$0x0] =	vst.idx.msk vm0, v5  }
.Ltmp42:
0x228: {  	s0 =	spop (v2sf);
	(pc) =	sbr.rel @p2 .LBB2_65-.Ltmp42, $4  }
0x229: {  	v8, _, _ =	vpop (xrf0);
	s28 =	sadd.s32 s28, s0  }
0x22a: {  	[tilespmem:s28+$0x8180] =	vst.msk vm0, v7;
	(v2sf) =	vpush v8, $0xF  }
0x22b: {  	s29 =	sadd.s32 $0x10, s29  }
0x22c: {  	s30 =	sadd.s32 $0xFFFFFFFF, s30;
	v7 =	vld [tilespmem:s29+$0x0]  }
.LBB2_66:
0x22d: {  	_ =	sdelay $0x3  }
0x22e: {  	v6 =	vadd.s32 v6, v7  }
0x22f: {  	vm0 =	vlt.u32 v6, $0x6400  }
0x230: {  	v7 =	vsel vm0, $0x1, v3  }
0x231: {  	(xrf0) =	vadd.scan.msk.s32 $0xffff, v7;
	_ =	sdelay $0x5  }
0x232: {  	v7, _, _ =	vpop (xrf0)  }
0x233: {  	(v2sf) =	vpush v7, $0xF;
	_ =	sdelay $0xb  }
.Ltmp43:
0x234: {  	_ = 	snop;
	(pc) =	sbr.rel .LBB2_67-.Ltmp43, $4  }
0x235: {  	s0 =	spop @p3 (v2sf)  }
0x236: {  	s0 =	sadd.s32 @p3 s28, s0  }
0x237: {  	[tilespmem:v6+s17+$0x0] =	vst.idx.msk vm0, v5;
	s25 =	smov.u32 @p3 s0;
	s31 =	spop (v2sf)  }
0x238: {  	[tilespmem:s25+$0x8180] =	vst.msk vm0, v6;
	s25 =	sadd.s32 s25, s31  }
.LBB2_38:
.Ltmp44:
0x239: {  	(pc) =	sbr.rel .LBB2_42-.Ltmp44, $2  }
0x23a: {  	_ =	sdelay $0x2  }
0x23b: {  	s26 =	simm.s32 $0x0  }
.LBB2_50:
.Ltmp45:
0x23c: {  	(pc) =	sbr.rel .LBB2_54-.Ltmp45, $2  }
0x23d: {  	_ =	sdelay $0x2  }
0x23e: {  	s29 =	simm.s32 $0x0  }
.LBB2_62:
.Ltmp46:
0x23f: {  	(pc) =	sbr.rel .LBB2_66-.Ltmp46, $2  }
0x240: {  	_ =	sdelay $0x2  }
0x241: {  	s28 =	simm.s32 $0x0  }
.LBB2_40:
.Ltmp47:
0x242: {  	(pc) =	sbr.rel .LBB2_42-.Ltmp47, $2  }
0x243: {  	_ =	sdelay $0x2  }
0x244: {  	s26 =	simm.s32 $0x0  }
.LBB2_52:
.Ltmp48:
0x245: {  	(pc) =	sbr.rel .LBB2_54-.Ltmp48, $2  }
0x246: {  	_ =	sdelay $0x2  }
0x247: {  	s29 =	simm.s32 $0x0  }
.LBB2_64:
.Ltmp49:
0x248: {  	(pc) =	sbr.rel .LBB2_66-.Ltmp49, $2  }
0x249: {  	_ =	sdelay $0x2  }
0x24a: {  	s28 =	simm.s32 $0x0  }
.LBB2_68:
0x24b: {  	s0 =	sadd.s32 $0xF, s23  }
0x24c: {  	s24 =	sshra.s32 s0, $0x4  }
0x24d: {  	p1 =	sgt.s32 s24, $0x0  }
.Ltmp50:
0x24e: {  	_ = 	snop;
	(pc) =	sbr.rel @!p1 .LBB2_69-.Ltmp50, $4  }
0x24f: {  	_ = 	snop  }
0x250: {  	_ =	swait.ge [sflag:s12], $0x6400  }
0x251: {  	[sflag:s12] =	ssyncset.done $0x0  }
0x252: {  	s23 =	simm.s32 $0x4080;
	[sflag:s12] =	ssyncadd.s32 $0xFFFF9C00  }
0x253: {  	p1 =	seq.s32 s24, $0x1  }
.Ltmp51:
0x254: {  	_ = 	snop;
	(pc) =	sbr.rel @p1 .LBB2_74-.Ltmp51, $2  }
0x255: {  	_ =	sdelay $0x2  }
0x256: {  	v6 =	vld [tilespmem:s23+$0x0];
	s24 =	sadd.s32 $0xFFFFFFFF, s24  }
.LBB2_73:
0x257: {  	p1 =	seq.s32 s24, $0x1;
	_ =	sdelay $0x3  }
0x258: {  	vm0 =	vlt.s32 v6, $0x6400;
	_ =	sdelay $0x2  }
.Ltmp52:
0x259: {  	(pc) =	sbr.rel @!p1 .LBB2_73-.Ltmp52, $3  }
0x25a: {  	_ =	sdelay $0x1  }
0x25b: {  	s23 =	sadd.s32 $0x10, s23;
	[tilespmem:v6+s13+$0x0] =	vst.idx.msk vm0, v2  }
0x25c: {  	s24 =	sadd.s32 $0xFFFFFFFF, s24;
	v6 =	vld [tilespmem:s23+$0x0]  }
.LBB2_74:
0x25d: {  	_ =	sdelay $0x3  }
0x25e: {  	vm0 =	vlt.s32 v6, $0x6400;
	_ =	sdelay $0x5  }
0x25f: {  	[tilespmem:v6+s13+$0x0] =	vst.idx.msk vm0, v2  }
.LBB2_69:
.Ltmp53:
0x260: {  	(pc) =	sbr.rel @!p0 .LBB2_79-.Ltmp53, $2  }
0x261: {  	_ =	sdelay $0x2  }
0x262: {  	s23 =	simm.s32 $0x0;
	s24 =	simm.s32 $0x2000  }
0x263: {  	p2 =	sne.s32 s21, $0x1  }
.Ltmp54:
0x264: {  	_ = 	snop;
	(pc) =	sbr.rel @!p2 .LBB2_71-.Ltmp54, $2  }
0x265: {  	_ =	sdelay $0x2  }
0x266: {  	v6 =	vld [tilespmem:s24+$0x0];
	s26 =	sadd.s32 $0xFFFFFFFF, s21;
	p1 =	por $0x0, $0x0  }
0x267: {  	_ =	sdelay $0x3  }
0x268: {  	v6 =	vadd.s32 $0xFFCFF400, v6  }
0x269: {  	vm0 =	vlt.u32 v6, $0x6400  }
0x26a: {  	v7 =	vsel vm0, $0x1, v3  }
0x26b: {  	(xrf0) =	vadd.scan.msk.s32 $0xffff, v7;
	_ =	sdelay $0x3  }
0x26c: {  	p2 =	sne.s32 s26, $0x1  }
.Ltmp55:
0x26d: {  	_ = 	snop;
	(pc) =	sbr.rel @!p2 .LBB2_76-.Ltmp55, $4  }
0x26e: {  	v7, _, _ =	vpop (xrf0)  }
0x26f: {  	[tilespmem:v6+s13+$0x0] =	vst.idx.msk vm0, v5;
	(v2sf) =	vpush v7, $0xF  }
0x270: {  	s25 =	sadd.s32 $0x10, s24;
	[tilespmem:s23+$0x4080] =	vst.msk vm0, v6  }
0x271: {  	s26 =	sadd.s32 $0xFFFFFFFF, s26;
	p1 =	por $0x1, $0x1;
	s24 =	simm.s32 $0x0;
	v6 =	vld [tilespmem:s25+$0x0]  }
.LBB2_77:
0x272: {  	p2 =	sne.s32 s26, $0x1;
	_ =	sdelay $0x3  }
0x273: {  	v6 =	vadd.s32 $0xFFCFF400, v6  }
0x274: {  	vm0 =	vlt.u32 v6, $0x6400  }
0x275: {  	v7 =	vsel vm0, $0x1, v3  }
0x276: {  	(xrf0) =	vadd.scan.msk.s32 $0xffff, v7;
	_ =	sdelay $0x3  }
0x277: {  	[tilespmem:v6+s13+$0x0] =	vst.idx.msk vm0, v5  }
.Ltmp56:
0x278: {  	s0 =	spop (v2sf);
	(pc) =	sbr.rel @p2 .LBB2_77-.Ltmp56, $4  }
0x279: {  	v7, _, _ =	vpop (xrf0);
	s24 =	sadd.s32 s24, s0  }
0x27a: {  	[tilespmem:s24+$0x4080] =	vst.msk vm0, v6;
	(v2sf) =	vpush v7, $0xF  }
0x27b: {  	s25 =	sadd.s32 $0x10, s25  }
0x27c: {  	s26 =	sadd.s32 $0xFFFFFFFF, s26;
	v6 =	vld [tilespmem:s25+$0x0]  }
.LBB2_78:
0x27d: {  	_ =	sdelay $0x3  }
0x27e: {  	v6 =	vadd.s32 $0xFFCFF400, v6  }
0x27f: {  	vm0 =	vlt.u32 v6, $0x6400  }
0x280: {  	v7 =	vsel vm0, $0x1, v3  }
0x281: {  	(xrf0) =	vadd.scan.msk.s32 $0xffff, v7;
	_ =	sdelay $0x5  }
0x282: {  	v7, _, _ =	vpop (xrf0)  }
0x283: {  	(v2sf) =	vpush v7, $0xF;
	_ =	sdelay $0xc  }
0x284: {  	s0 =	spop @p1 (v2sf)  }
0x285: {  	s0 =	sadd.s32 @p1 s24, s0  }
0x286: {  	[tilespmem:v6+s13+$0x0] =	vst.idx.msk vm0, v5;
	s23 =	smov.u32 @p1 s0;
	s31 =	spop (v2sf)  }
0x287: {  	[tilespmem:s23+$0x4080] =	vst.msk vm0, v6;
	s23 =	sadd.s32 s23, s31  }
.LBB2_79:
0x288: {  	s0 =	sadd.s32 $0xF, s22  }
0x289: {  	[tilespmem:s23+$0x4080] =	vst v4;
	s23 =	sshra.s32 s0, $0x4  }
0x28a: {  	p1 =	sgt.s32 s23, $0x0  }
.Ltmp57:
0x28b: {  	_ = 	snop;
	(pc) =	sbr.rel @!p1 .LBB2_80-.Ltmp57, $4  }
0x28c: {  	[hbm4b:s9+s14] =	stream.strided.scatter [tilespmem:s13], [sflag:$0x1], $0x6400, s15, s14, $0x38;
	[tilespmem:$0x1CE00] =	vst v63  }
0x28d: {  	_ =	swait.ge [sflag:s18], $0x6400  }
0x28e: {  	[sflag:s18] =	ssyncset.done $0x0  }
0x28f: {  	s22 =	simm.s32 $0x6100;
	[sflag:s18] =	ssyncadd.s32 $0xFFFF9C00  }
0x290: {  	p1 =	seq.s32 s23, $0x1  }
.Ltmp58:
0x291: {  	_ = 	snop;
	(pc) =	sbr.rel @p1 .LBB2_85-.Ltmp58, $2  }
0x292: {  	_ =	sdelay $0x2  }
0x293: {  	v6 =	vld [tilespmem:s22+$0x0];
	s23 =	sadd.s32 $0xFFFFFFFF, s23  }
.LBB2_84:
0x294: {  	p1 =	seq.s32 s23, $0x1;
	_ =	sdelay $0x3  }
0x295: {  	vm0 =	vlt.s32 v6, $0x6400;
	_ =	sdelay $0x2  }
.Ltmp59:
0x296: {  	(pc) =	sbr.rel @!p1 .LBB2_84-.Ltmp59, $3  }
0x297: {  	_ =	sdelay $0x1  }
0x298: {  	s22 =	sadd.s32 $0x10, s22;
	[tilespmem:v6+s16+$0x0] =	vst.idx.msk vm0, v2  }
0x299: {  	s23 =	sadd.s32 $0xFFFFFFFF, s23;
	v6 =	vld [tilespmem:s22+$0x0]  }
.LBB2_85:
0x29a: {  	_ =	sdelay $0x3  }
0x29b: {  	vm0 =	vlt.s32 v6, $0x6400;
	_ =	sdelay $0x5  }
0x29c: {  	[tilespmem:v6+s16+$0x0] =	vst.idx.msk vm0, v2  }
.LBB2_80:
.Ltmp60:
0x29d: {  	(pc) =	sbr.rel @!p0 .LBB2_90-.Ltmp60, $2  }
0x29e: {  	_ =	sdelay $0x2  }
0x29f: {  	s22 =	simm.s32 $0x0;
	s23 =	simm.s32 $0x2000  }
0x2a0: {  	p1 =	sne.s32 s21, $0x1  }
.Ltmp61:
0x2a1: {  	v6 =	vld [tilespmem:s23+$0x0];
	(pc) =	sbr.rel @!p1 .LBB2_82-.Ltmp61, $2  }
0x2a2: {  	_ =	sdelay $0x2  }
0x2a3: {  	s21 =	sadd.s32 $0xFFFFFFFF, s21;
	p0 =	por $0x0, $0x0  }
0x2a4: {  	v6 =	vadd.s32 $0xFFCF9000, v6  }
0x2a5: {  	vm0 =	vlt.u32 v6, $0x6400;
	_ =	sdelay $0x1  }
0x2a6: {  	v7 =	vsel vm0, $0x1, v3  }
0x2a7: {  	(xrf0) =	vadd.scan.msk.s32 $0xffff, v7;
	_ =	sdelay $0x2  }
0x2a8: {  	[tilespmem:v6+s16+$0x0] =	vst.idx.msk vm0, v5  }
0x2a9: {  	p1 =	sne.s32 s21, $0x1;
	s23 =	sadd.s32 $0x10, s23;
	[tilespmem:s22+$0x6100] =	vst.msk vm0, v6  }
.Ltmp62:
0x2aa: {  	v6 =	vld [tilespmem:s23+$0x0];
	(pc) =	sbr.rel @!p1 .LBB2_87-.Ltmp62, $3  }
0x2ab: {  	v7, _, _ =	vpop (xrf0)  }
0x2ac: {  	(v2sf) =	vpush v7, $0xF;
	_ =	sdelay $0x1  }
0x2ad: {  	s24 =	sadd.s32 $0xFFFFFFFF, s21;
	p0 =	por $0x1, $0x1;
	s21 =	simm.s32 $0x0  }
.LBB2_88:
0x2ae: {  	p1 =	sne.s32 s24, $0x1;
	_ =	sdelay $0x3  }
0x2af: {  	v6 =	vadd.s32 $0xFFCF9000, v6  }
0x2b0: {  	vm0 =	vlt.u32 v6, $0x6400  }
0x2b1: {  	v7 =	vsel vm0, $0x1, v3  }
0x2b2: {  	(xrf0) =	vadd.scan.msk.s32 $0xffff, v7;
	_ =	sdelay $0x3  }
0x2b3: {  	[tilespmem:v6+s16+$0x0] =	vst.idx.msk vm0, v5  }
.Ltmp63:
0x2b4: {  	s0 =	spop (v2sf);
	(pc) =	sbr.rel @p1 .LBB2_88-.Ltmp63, $4  }
0x2b5: {  	v7, _, _ =	vpop (xrf0);
	s21 =	sadd.s32 s21, s0  }
0x2b6: {  	[tilespmem:s21+$0x6100] =	vst.msk vm0, v6;
	(v2sf) =	vpush v7, $0xF  }
0x2b7: {  	s23 =	sadd.s32 $0x10, s23  }
0x2b8: {  	s24 =	sadd.s32 $0xFFFFFFFF, s24;
	v6 =	vld [tilespmem:s23+$0x0]  }
.Ltmp64:
0x2b9: {  	_ = 	snop;
	(pc) =	sbr.rel .LBB2_89-.Ltmp64, $1  }
0x2ba: {  	_ =	sdelay $0x3  }
.LBB2_7:
.Ltmp65:
0x2bb: {  	(pc) =	sbr.rel .LBB2_11-.Ltmp65, $2  }
0x2bc: {  	_ =	sdelay $0x2  }
0x2bd: {  	s22 =	simm.s32 $0x0  }
.LBB2_16:
.Ltmp66:
0x2be: {  	(pc) =	sbr.rel .LBB2_20-.Ltmp66, $2  }
0x2bf: {  	_ =	sdelay $0x2  }
0x2c0: {  	s24 =	simm.s32 $0x0  }
.LBB2_25:
.Ltmp67:
0x2c1: {  	(pc) =	sbr.rel .LBB2_29-.Ltmp67, $2  }
0x2c2: {  	_ =	sdelay $0x2  }
0x2c3: {  	s24 =	simm.s32 $0x0  }
.LBB2_71:
.Ltmp68:
0x2c4: {  	(pc) =	sbr.rel .LBB2_78-.Ltmp68, $2  }
0x2c5: {  	_ =	sdelay $0x2  }
0x2c6: {  	s24 =	simm.s32 $0x0  }
.LBB2_9:
.Ltmp69:
0x2c7: {  	(pc) =	sbr.rel .LBB2_11-.Ltmp69, $2  }
0x2c8: {  	_ =	sdelay $0x2  }
0x2c9: {  	s22 =	simm.s32 $0x0  }
.LBB2_18:
.Ltmp70:
0x2ca: {  	(pc) =	sbr.rel .LBB2_20-.Ltmp70, $2  }
0x2cb: {  	_ =	sdelay $0x2  }
0x2cc: {  	s24 =	simm.s32 $0x0  }
.LBB2_27:
.Ltmp71:
0x2cd: {  	(pc) =	sbr.rel .LBB2_29-.Ltmp71, $2  }
0x2ce: {  	_ =	sdelay $0x2  }
0x2cf: {  	s24 =	simm.s32 $0x0  }
.LBB2_76:
.Ltmp72:
0x2d0: {  	(pc) =	sbr.rel .LBB2_78-.Ltmp72, $2  }
0x2d1: {  	_ =	sdelay $0x2  }
0x2d2: {  	s24 =	simm.s32 $0x0  }
.LBB2_87:
.Ltmp73:
0x2d3: {  	(pc) =	sbr.rel .LBB2_89-.Ltmp73, $2  }
0x2d4: {  	_ =	sdelay $0x2  }
0x2d5: {  	s21 =	simm.s32 $0x0  }
.LBB2_91:
0x2d6: {  	_ =	sfence.sel $0x180000  }
0x2d7: {  	[bflag:$0x0] =	sbarrier.arrive $0xFFFF  }
0x2d8: {  	_ =	strace $0x90000047  }
0x2d9: {  	[bflag:$0x2] =	sbarrier.arrive $0xFFFF  }
0x2da: {  	p0 =	sne.s32 s1, $0x0;
	s0 =	rddreg [dreg:$0x2]  }
0x2db: {  	s0 =	sadd.s32 @!p0 $0x100000, s0  }
0x2dc: {  	[sflag:s0] =	ssyncadd.tile.s32 @!p0 $0x1;
	_ =	shalt  }
.Lfunc_end2:
_tile_overlayer_lowered:
.L_overlay_start_2:
0x2dd: {  	(tag) =	ssettag $0x2  }
0x2de: {  	s0 =	rddreg [dreg:$0x0];
	s2 =	stileid.u32  }
0x2df: {  	s1 =	rddreg [dreg:$0x1];
	p0 =	sne.s32 s2, $0x0  }
0x2e0: {  	s3 =	rddreg [dreg:$0x2];
	[bflag:$0x3] =	sbarrier.arrive $0xFFFF;
	s2 =	simm.s32 @!p0 $0x1C04  }
0x2e1: {  	[timem:s3], [sflag:s2] =	dma.local @!p0 [hbm:s0], s1  }
0x2e2: {  	s0 =	simm.s32 @!p0 $0x4  }
0x2e3: {  	_ =	swait.ge @!p0 [sflag:s0], s1  }
0x2e4: {  	s1 =	ssub.s32 @!p0 $0x0, s1;
	[sflag:s0] =	ssyncset.done @!p0 $0x0  }
0x2e5: {  	[sflag:s0] =	ssyncadd.s32 @!p0 s1  }
0x2e6: {  	[bflag:$0x3] =	sbarrier.arrive $0xFFFF  }
0x2e7: {  	_ =	shalt  }

</sc_bundles>
